<compile_context>
chip_gen: v7x
topology: tpu7x:2x2x1
jax: 0.10.2.dev20260603
libtpu: 0.0.44.dev20260713+nightly
codegen_flags: <defaults>
</compile_context>

<pallas_src>
import functools

import jax
import jax.numpy as jnp
from jax import lax
from jax.experimental import pallas as pl
from jax.experimental.pallas import tpu as pltpu
from jax.experimental.pallas import tpu_sc as plsc

NUM_CORES = 2
NUM_SUBCORES = 16
NUM_WORKERS = NUM_CORES * NUM_SUBCORES
LANES = 16
NBUF = 4


def _positional(seq, emb_sz, n=10000):
    positions = jnp.arange(seq)[:, None].astype(jnp.float32)
    pairs = jnp.arange(emb_sz) // 2
    is_even = (jnp.arange(emb_sz) % 2 == 0)
    angle = positions / (n ** (2 * pairs / emb_sz))
    return jnp.where(is_even, jnp.sin(angle), jnp.cos(angle))


def _make_sc_kernel(vocab, emb, n_rows, chunk, subs):
    rows_per_w = n_rows // NUM_WORKERS
    n_chunks = rows_per_w // chunk
    assert n_chunks % NBUF == 0 and n_chunks >= 2 * NBUF
    assert sum(subs) == chunk and all(s % 8 == 0 for s in subs[:-1])
    mesh = plsc.VectorSubcoreMesh(
        core_axis_name="c", subcore_axis_name="s",
        num_cores=NUM_CORES, num_subcores=NUM_SUBCORES)

    @functools.partial(
        pl.kernel,
        out_type=jax.ShapeDtypeStruct((n_rows, emb), jnp.float32),
        mesh=mesh,
        scratch_types=[
            pltpu.VMEM((rows_per_w,), jnp.int32),
            [pltpu.VMEM((chunk, emb), jnp.float32) for _ in range(NBUF)],
            pltpu.VMEM((chunk, emb), jnp.float32),
            [pltpu.SemaphoreType.DMA for _ in range(NBUF)],
            [pltpu.SemaphoreType.DMA for _ in range(NBUF)],
        ],
        compiler_params=pltpu.CompilerParams(use_tc_tiling_on_sc=False),
    )
    def sc_kernel(table_hbm, ids_hbm, pos_hbm, out_hbm,
                  idx_v, bufs, pos_v, gsems, wsems):
        wid = lax.axis_index("s") * NUM_CORES + lax.axis_index("c")
        base = pl.multiple_of(wid * rows_per_w, rows_per_w)

        pltpu.sync_copy(ids_hbm.at[pl.ds(base, rows_per_w)], idx_v)
        pltpu.sync_copy(pos_hbm, pos_v)

        def fire_gather(k, p):
            row0 = pl.multiple_of(k * chunk, chunk)
            off = 0
            for s in subs:
                pltpu.async_copy(
                    table_hbm.at[idx_v.at[pl.ds(row0 + off, s)]],
                    bufs[p].at[pl.ds(off, s)], gsems[p])
                off += s

        def drain_gather(p):
            pltpu.make_async_copy(
                table_hbm.at[pl.ds(0, chunk)], bufs[p], gsems[p]).wait()

        def add_pos(p):
            @pl.loop(0, chunk, unroll=4)
            def _add(r):
                for k in range(emb // LANES):
                    plsc.addupdate(bufs[p].at[r, pl.ds(k * LANES, LANES)],
                                   pos_v[r, pl.ds(k * LANES, LANES)])

        def fire_write(k, p):
            row0 = pl.multiple_of(k * chunk, chunk)
            pltpu.async_copy(bufs[p], out_hbm.at[pl.ds(base + row0, chunk)],
                             wsems[p])

        def drain_write(p):
            pltpu.make_async_copy(
                bufs[p], out_hbm.at[pl.ds(base, chunk)], wsems[p]).wait()

        for p in range(NBUF - 1):
            fire_gather(p, p)

        @pl.loop(0, n_chunks, step=NBUF)
        def _pipe(c):
            for p in range(NBUF):
                k = c + p

                @pl.when(k >= 1)
                def _():
                    drain_write((p + NBUF - 1) % NBUF)

                @pl.when(k + NBUF - 1 < n_chunks)
                def _():
                    fire_gather(k + NBUF - 1, (p + NBUF - 1) % NBUF)

                drain_gather(p)
                add_pos(p)
                fire_write(k, p)

        drain_write((n_chunks - 1) % NBUF)

    return sc_kernel


def kernel(input_ids, token_emb_table):
    bs, seq = input_ids.shape
    vocab, emb = token_emb_table.shape
    n_rows = bs * seq

    chunk = 4 * seq
    subs = (128, 72)

    ids_flat = input_ids.reshape(-1).astype(jnp.int32)
    pos_tiled = jnp.tile(_positional(seq, emb), (chunk // seq, 1)).astype(jnp.float32)

    sc = _make_sc_kernel(vocab, emb, n_rows, chunk, subs)
    out = sc(token_emb_table, ids_flat, pos_tiled)
    return out.reshape(bs, seq, emb)

# --- scband reference (transcript-rebuilt; emitter-appended) ---
"""Pipeline reference for scband-embedder-42880953484276 (READ-ONLY COPY).

The authoritative reference and input builder live on the scoring server;
editing this copy changes nothing except your own understanding.
"""

import jax, jax.numpy as jnp
import numpy as np

VOCAB_SZ = 100000
EMB_SZ = 64
BATCH = 4096
SEQ = 50


def positional(seq, emb_sz, n=10000):
    positions = jnp.arange(seq)[:, None].astype(jnp.float32)
    pairs = jnp.arange(emb_sz) // 2
    is_even = (jnp.arange(emb_sz) % 2 == 0)
    angle = positions / (n ** (2 * pairs / emb_sz))
    sins = jnp.sin(angle)
    coses = jnp.cos(angle)
    return is_even * sins + (~is_even) * coses


def setup_inputs(seed: int = 0) -> dict:
    key = jax.random.key(seed)
    k_idx, k_tbl = jax.random.split(key)
    input_ids = jax.random.randint(k_idx, (BATCH, SEQ), 0, VOCAB_SZ, dtype=jnp.int64 if jax.config.jax_enable_x64 else jnp.int32)
    token_emb_table = jax.random.normal(k_tbl, (VOCAB_SZ, EMB_SZ), dtype=jnp.float32)
    return {"input_ids": input_ids, "token_emb_table": token_emb_table}


def reference(input_ids, token_emb_table):
    bs, seq = input_ids.shape
    emb_sz = token_emb_table.shape[1]
    # token embedding lookup (gather) + sinusoidal positional encoding
    x = jnp.take(token_emb_table, input_ids, axis=0) + positional(seq, emb_sz)
    # dropout in eval mode is identity
    return x

if __name__ == "__main__":
    import jax
    _d = setup_inputs()
    print(jax.jit(kernel)(*tuple(_d.values())))

</pallas_src>

<mosaic_0001>
#map = affine_map<(d0, d1) -> (0, 0)>
#map1 = affine_map<(d0, d1) -> (0)>
module attributes {stable_mosaic.version = 14 : i64} {
  func.func @sc_kernel(%arg0: i32, %arg1: i32, %arg2: memref<100000x64xf32, #tpu.memory_space<hbm>>, %arg3: memref<204800xi32, #tpu.memory_space<hbm>>, %arg4: memref<200x64xf32, #tpu.memory_space<hbm>>, %arg5: memref<204800x64xf32, #tpu.memory_space<hbm>>, %arg6: memref<6400xi32, #tpu.memory_space<vmem>>, %arg7: memref<200x64xf32, #tpu.memory_space<vmem>>, %arg8: memref<200x64xf32, #tpu.memory_space<vmem>>, %arg9: memref<200x64xf32, #tpu.memory_space<vmem>>, %arg10: memref<200x64xf32, #tpu.memory_space<vmem>>, %arg11: memref<200x64xf32, #tpu.memory_space<vmem>>, %arg12: memref<!tpu.dma_semaphore, #tpu.memory_space<semaphore_mem>>, %arg13: memref<!tpu.dma_semaphore, #tpu.memory_space<semaphore_mem>>, %arg14: memref<!tpu.dma_semaphore, #tpu.memory_space<semaphore_mem>>, %arg15: memref<!tpu.dma_semaphore, #tpu.memory_space<semaphore_mem>>, %arg16: memref<!tpu.dma_semaphore, #tpu.memory_space<semaphore_mem>>, %arg17: memref<!tpu.dma_semaphore, #tpu.memory_space<semaphore_mem>>, %arg18: memref<!tpu.dma_semaphore, #tpu.memory_space<semaphore_mem>>, %arg19: memref<!tpu.dma_semaphore, #tpu.memory_space<semaphore_mem>>) attributes {dimension_semantics = [#tpu.dimension_semantics<core_parallel>, #tpu.dimension_semantics<subcore_parallel>], iteration_bounds = array<i64: 2, 16>, scalar_prefetch = 0 : i64, scratch_operands = 14 : i64, tpu.core_type = #tpu.core_type<sc_vector_subcore>, window_params = [{transform_indices = #map}, {transform_indices = #map1}, {transform_indices = #map}, {transform_indices = #map}]} {
    %mul3A = arith.constant 2 : i32
    %mul3A_0 = arith.muli %arg1, %mul3A : i32
    %add3A = arith.addi %mul3A_0, %arg0 : i32
    %mul3A_1 = arith.constant 6400 : i32
    %mul3A_2 = arith.muli %add3A, %mul3A_1 : i32
    %multiple_of3A = tpu.assume_multiple %mul3A_2, 6400 : i32
    "tpu.region"() ({
      %run_scoped3A = tpu.sem_alloc : memref<!tpu.dma_semaphore, #tpu.memory_space<semaphore_mem>>
      %dma_start3A_69 = tpu.memref_slice %arg3[%multiple_of3A] : memref<204800xi32, #tpu.memory_space<hbm>> -> memref<6400xi32, #tpu.memory_space<hbm>>
      %dma_start3A_70 = tpu.memref_slice %arg3[%multiple_of3A] : memref<204800xi32, #tpu.memory_space<hbm>> -> memref<6400xi32, #tpu.memory_space<hbm>>
      tpu.enqueue_dma source(%dma_start3A_70 : memref<6400xi32, #tpu.memory_space<hbm>>) target(%arg6 : memref<6400xi32, #tpu.memory_space<vmem>>) target_semaphore(%run_scoped3A : memref<!tpu.dma_semaphore, #tpu.memory_space<semaphore_mem>>)
      %dma_wait3A_71 = tpu.memref_slice %arg3[%multiple_of3A] : memref<204800xi32, #tpu.memory_space<hbm>> -> memref<6400xi32, #tpu.memory_space<hbm>>
      %dma_wait3A_72 = tpu.memref_slice %arg3[%multiple_of3A] : memref<204800xi32, #tpu.memory_space<hbm>> -> memref<6400xi32, #tpu.memory_space<hbm>>
      tpu.wait_dma2 semaphore(%run_scoped3A : memref<!tpu.dma_semaphore, #tpu.memory_space<semaphore_mem>>) src(%dma_wait3A_72 : memref<6400xi32, #tpu.memory_space<hbm>>) dst(%arg6 : memref<6400xi32, #tpu.memory_space<vmem>>)
      tpu.yield
    }) : () -> ()
    "tpu.region"() ({
      %run_scoped3A = tpu.sem_alloc : memref<!tpu.dma_semaphore, #tpu.memory_space<semaphore_mem>>
      tpu.enqueue_dma source(%arg4 : memref<200x64xf32, #tpu.memory_space<hbm>>) target(%arg11 : memref<200x64xf32, #tpu.memory_space<vmem>>) target_semaphore(%run_scoped3A : memref<!tpu.dma_semaphore, #tpu.memory_space<semaphore_mem>>)
      tpu.wait_dma2 semaphore(%run_scoped3A : memref<!tpu.dma_semaphore, #tpu.memory_space<semaphore_mem>>) src(%arg4 : memref<200x64xf32, #tpu.memory_space<hbm>>) dst(%arg11 : memref<200x64xf32, #tpu.memory_space<vmem>>)
      tpu.yield
    }) : () -> ()
    %multiple_of3A_3 = arith.constant 0 : i32
    %multiple_of3A_4 = tpu.assume_multiple %multiple_of3A_3, 200 : i32
    %add3A_5 = arith.constant 0 : i32
    %add3A_6 = arith.addi %multiple_of3A_4, %add3A_5 : i32
    %dma_start3A = arith.constant 0 : i32
    %dma_start3A_7 = arith.constant 0 : i32
    %dma_start3A_8 = tpu.memref_slice %arg7[%dma_start3A, %dma_start3A_7] : memref<200x64xf32, #tpu.memory_space<vmem>> -> memref<128x64xf32, #tpu.memory_space<vmem>>
    %dma_start3A_9 = tpu.memref_slice %arg6[%add3A_6] : memref<6400xi32, #tpu.memory_space<vmem>> -> memref<128xi32, #tpu.memory_space<vmem>>
    %dma_start3A_10 = arith.constant 0 : i32
    %dma_start3A_11 = arith.constant 0 : i32
    %dma_start3A_12 = tpu.memref_slice %arg2[%dma_start3A_10, %dma_start3A_11] : memref<100000x64xf32, #tpu.memory_space<hbm>> -> memref<100000x64xf32, #tpu.memory_space<hbm>>
    tpu.enqueue_indirect_dma source(%dma_start3A_12 : memref<100000x64xf32, #tpu.memory_space<hbm>>) target(%dma_start3A_8 : memref<128x64xf32, #tpu.memory_space<vmem>>) offsets(%dma_start3A_9 : memref<128xi32, #tpu.memory_space<vmem>>) semaphore(%arg12 : memref<!tpu.dma_semaphore, #tpu.memory_space<semaphore_mem>>)
    %add3A_13 = arith.constant 128 : i32
    %add3A_14 = arith.addi %multiple_of3A_4, %add3A_13 : i32
    %dma_start3A_15 = arith.constant 128 : i32
    %dma_start3A_16 = arith.constant 0 : i32
    %dma_start3A_17 = tpu.memref_slice %arg7[%dma_start3A_15, %dma_start3A_16] : memref<200x64xf32, #tpu.memory_space<vmem>> -> memref<72x64xf32, #tpu.memory_space<vmem>>
    %dma_start3A_18 = tpu.memref_slice %arg6[%add3A_14] : memref<6400xi32, #tpu.memory_space<vmem>> -> memref<72xi32, #tpu.memory_space<vmem>>
    %dma_start3A_19 = arith.constant 0 : i32
    %dma_start3A_20 = arith.constant 0 : i32
    %dma_start3A_21 = tpu.memref_slice %arg2[%dma_start3A_19, %dma_start3A_20] : memref<100000x64xf32, #tpu.memory_space<hbm>> -> memref<100000x64xf32, #tpu.memory_space<hbm>>
    tpu.enqueue_indirect_dma source(%dma_start3A_21 : memref<100000x64xf32, #tpu.memory_space<hbm>>) target(%dma_start3A_17 : memref<72x64xf32, #tpu.memory_space<vmem>>) offsets(%dma_start3A_18 : memref<72xi32, #tpu.memory_space<vmem>>) semaphore(%arg12 : memref<!tpu.dma_semaphore, #tpu.memory_space<semaphore_mem>>)
    %multiple_of3A_22 = arith.constant 200 : i32
    %multiple_of3A_23 = tpu.assume_multiple %multiple_of3A_22, 200 : i32
    %add3A_24 = arith.constant 0 : i32
    %add3A_25 = arith.addi %multiple_of3A_23, %add3A_24 : i32
    %dma_start3A_26 = arith.constant 0 : i32
    %dma_start3A_27 = arith.constant 0 : i32
    %dma_start3A_28 = tpu.memref_slice %arg8[%dma_start3A_26, %dma_start3A_27] : memref<200x64xf32, #tpu.memory_space<vmem>> -> memref<128x64xf32, #tpu.memory_space<vmem>>
    %dma_start3A_29 = tpu.memref_slice %arg6[%add3A_25] : memref<6400xi32, #tpu.memory_space<vmem>> -> memref<128xi32, #tpu.memory_space<vmem>>
    %dma_start3A_30 = arith.constant 0 : i32
    %dma_start3A_31 = arith.constant 0 : i32
    %dma_start3A_32 = tpu.memref_slice %arg2[%dma_start3A_30, %dma_start3A_31] : memref<100000x64xf32, #tpu.memory_space<hbm>> -> memref<100000x64xf32, #tpu.memory_space<hbm>>
    tpu.enqueue_indirect_dma source(%dma_start3A_32 : memref<100000x64xf32, #tpu.memory_space<hbm>>) target(%dma_start3A_28 : memref<128x64xf32, #tpu.memory_space<vmem>>) offsets(%dma_start3A_29 : memref<128xi32, #tpu.memory_space<vmem>>) semaphore(%arg13 : memref<!tpu.dma_semaphore, #tpu.memory_space<semaphore_mem>>)
    %add3A_33 = arith.constant 128 : i32
    %add3A_34 = arith.addi %multiple_of3A_23, %add3A_33 : i32
    %dma_start3A_35 = arith.constant 128 : i32
    %dma_start3A_36 = arith.constant 0 : i32
    %dma_start3A_37 = tpu.memref_slice %arg8[%dma_start3A_35, %dma_start3A_36] : memref<200x64xf32, #tpu.memory_space<vmem>> -> memref<72x64xf32, #tpu.memory_space<vmem>>
    %dma_start3A_38 = tpu.memref_slice %arg6[%add3A_34] : memref<6400xi32, #tpu.memory_space<vmem>> -> memref<72xi32, #tpu.memory_space<vmem>>
    %dma_start3A_39 = arith.constant 0 : i32
    %dma_start3A_40 = arith.constant 0 : i32
    %dma_start3A_41 = tpu.memref_slice %arg2[%dma_start3A_39, %dma_start3A_40] : memref<100000x64xf32, #tpu.memory_space<hbm>> -> memref<100000x64xf32, #tpu.memory_space<hbm>>
    tpu.enqueue_indirect_dma source(%dma_start3A_41 : memref<100000x64xf32, #tpu.memory_space<hbm>>) target(%dma_start3A_37 : memref<72x64xf32, #tpu.memory_space<vmem>>) offsets(%dma_start3A_38 : memref<72xi32, #tpu.memory_space<vmem>>) semaphore(%arg13 : memref<!tpu.dma_semaphore, #tpu.memory_space<semaphore_mem>>)
    %multiple_of3A_42 = arith.constant 400 : i32
    %multiple_of3A_43 = tpu.assume_multiple %multiple_of3A_42, 200 : i32
    %add3A_44 = arith.constant 0 : i32
    %add3A_45 = arith.addi %multiple_of3A_43, %add3A_44 : i32
    %dma_start3A_46 = arith.constant 0 : i32
    %dma_start3A_47 = arith.constant 0 : i32
    %dma_start3A_48 = tpu.memref_slice %arg9[%dma_start3A_46, %dma_start3A_47] : memref<200x64xf32, #tpu.memory_space<vmem>> -> memref<128x64xf32, #tpu.memory_space<vmem>>
    %dma_start3A_49 = tpu.memref_slice %arg6[%add3A_45] : memref<6400xi32, #tpu.memory_space<vmem>> -> memref<128xi32, #tpu.memory_space<vmem>>
    %dma_start3A_50 = arith.constant 0 : i32
    %dma_start3A_51 = arith.constant 0 : i32
    %dma_start3A_52 = tpu.memref_slice %arg2[%dma_start3A_50, %dma_start3A_51] : memref<100000x64xf32, #tpu.memory_space<hbm>> -> memref<100000x64xf32, #tpu.memory_space<hbm>>
    tpu.enqueue_indirect_dma source(%dma_start3A_52 : memref<100000x64xf32, #tpu.memory_space<hbm>>) target(%dma_start3A_48 : memref<128x64xf32, #tpu.memory_space<vmem>>) offsets(%dma_start3A_49 : memref<128xi32, #tpu.memory_space<vmem>>) semaphore(%arg14 : memref<!tpu.dma_semaphore, #tpu.memory_space<semaphore_mem>>)
    %add3A_53 = arith.constant 128 : i32
    %add3A_54 = arith.addi %multiple_of3A_43, %add3A_53 : i32
    %dma_start3A_55 = arith.constant 128 : i32
    %dma_start3A_56 = arith.constant 0 : i32
    %dma_start3A_57 = tpu.memref_slice %arg9[%dma_start3A_55, %dma_start3A_56] : memref<200x64xf32, #tpu.memory_space<vmem>> -> memref<72x64xf32, #tpu.memory_space<vmem>>
    %dma_start3A_58 = tpu.memref_slice %arg6[%add3A_54] : memref<6400xi32, #tpu.memory_space<vmem>> -> memref<72xi32, #tpu.memory_space<vmem>>
    %dma_start3A_59 = arith.constant 0 : i32
    %dma_start3A_60 = arith.constant 0 : i32
    %dma_start3A_61 = tpu.memref_slice %arg2[%dma_start3A_59, %dma_start3A_60] : memref<100000x64xf32, #tpu.memory_space<hbm>> -> memref<100000x64xf32, #tpu.memory_space<hbm>>
    tpu.enqueue_indirect_dma source(%dma_start3A_61 : memref<100000x64xf32, #tpu.memory_space<hbm>>) target(%dma_start3A_57 : memref<72x64xf32, #tpu.memory_space<vmem>>) offsets(%dma_start3A_58 : memref<72xi32, #tpu.memory_space<vmem>>) semaphore(%arg14 : memref<!tpu.dma_semaphore, #tpu.memory_space<semaphore_mem>>)
    %scan3A = arith.constant 0 : i32
    %scan3A_62 = arith.constant 8 : i32
    %scan3A_63 = arith.addi %scan3A, %scan3A_62 : i32
    %scan3A_64 = arith.constant 1 : i32
    scf.for %scan3A_69 = %scan3A to %scan3A_63 step %scan3A_64  : i32 {
      %mul3A_70 = arith.constant 4 : i32
      %mul3A_71 = arith.muli %scan3A_69, %mul3A_70 : i32
      %add3A_72 = arith.constant 0 : i32
      %add3A_73 = arith.addi %add3A_72, %mul3A_71 : i32
      %add3A_74 = arith.constant 0 : i32
      %add3A_75 = arith.addi %add3A_73, %add3A_74 : i32
      %ge3A = arith.constant 1 : i32
      %ge3A_76 = arith.cmpi sge, %add3A_75, %ge3A : i32
      %convert_element_type3A = arith.extui %ge3A_76 : i1 to i32
      %cond3A = arith.constant 0 : i32
      %cond3A_77 = arith.cmpi ne, %convert_element_type3A, %cond3A : i32
      scf.if %cond3A_77 {
        %dma_wait3A_209 = arith.constant 0 : i32
        %dma_wait3A_210 = tpu.memref_slice %arg5[%multiple_of3A, %dma_wait3A_209] : memref<204800x64xf32, #tpu.memory_space<hbm>> -> memref<200x64xf32, #tpu.memory_space<hbm>>
        %dma_wait3A_211 = arith.constant 0 : i32
        %dma_wait3A_212 = tpu.memref_slice %arg5[%multiple_of3A, %dma_wait3A_211] : memref<204800x64xf32, #tpu.memory_space<hbm>> -> memref<200x64xf32, #tpu.memory_space<hbm>>
        tpu.wait_dma2 semaphore(%arg19 : memref<!tpu.dma_semaphore, #tpu.memory_space<semaphore_mem>>) src(%arg10 : memref<200x64xf32, #tpu.memory_space<vmem>>) dst(%dma_wait3A_212 : memref<200x64xf32, #tpu.memory_space<hbm>>)
      } else {
      }
      %add3A_78 = arith.constant 4 : i32
      %add3A_79 = arith.addi %add3A_75, %add3A_78 : i32
      %sub3A = arith.constant 1 : i32
      %sub3A_80 = arith.subi %add3A_79, %sub3A : i32
      %lt3A = arith.constant 32 : i32
      %lt3A_81 = arith.cmpi slt, %sub3A_80, %lt3A : i32
      %convert_element_type3A_82 = arith.extui %lt3A_81 : i1 to i32
      %cond3A_83 = arith.constant 0 : i32
      %cond3A_84 = arith.cmpi ne, %convert_element_type3A_82, %cond3A_83 : i32
      scf.if %cond3A_84 {
        %add3A_209 = arith.constant 4 : i32
        %add3A_210 = arith.addi %add3A_75, %add3A_209 : i32
        %sub3A_211 = arith.constant 1 : i32
        %sub3A_212 = arith.subi %add3A_210, %sub3A_211 : i32
        %mul3A_213 = arith.constant 200 : i32
        %mul3A_214 = arith.muli %sub3A_212, %mul3A_213 : i32
        %multiple_of3A_215 = tpu.assume_multiple %mul3A_214, 200 : i32
        %add3A_216 = arith.constant 0 : i32
        %add3A_217 = arith.addi %multiple_of3A_215, %add3A_216 : i32
        %dma_start3A_218 = arith.constant 0 : i32
        %dma_start3A_219 = arith.constant 0 : i32
        %dma_start3A_220 = tpu.memref_slice %arg10[%dma_start3A_218, %dma_start3A_219] : memref<200x64xf32, #tpu.memory_space<vmem>> -> memref<128x64xf32, #tpu.memory_space<vmem>>
        %dma_start3A_221 = tpu.memref_slice %arg6[%add3A_217] : memref<6400xi32, #tpu.memory_space<vmem>> -> memref<128xi32, #tpu.memory_space<vmem>>
        %dma_start3A_222 = arith.constant 0 : i32
        %dma_start3A_223 = arith.constant 0 : i32
        %dma_start3A_224 = tpu.memref_slice %arg2[%dma_start3A_222, %dma_start3A_223] : memref<100000x64xf32, #tpu.memory_space<hbm>> -> memref<100000x64xf32, #tpu.memory_space<hbm>>
        tpu.enqueue_indirect_dma source(%dma_start3A_224 : memref<100000x64xf32, #tpu.memory_space<hbm>>) target(%dma_start3A_220 : memref<128x64xf32, #tpu.memory_space<vmem>>) offsets(%dma_start3A_221 : memref<128xi32, #tpu.memory_space<vmem>>) semaphore(%arg15 : memref<!tpu.dma_semaphore, #tpu.memory_space<semaphore_mem>>)
        %add3A_225 = arith.constant 128 : i32
        %add3A_226 = arith.addi %multiple_of3A_215, %add3A_225 : i32
        %dma_start3A_227 = arith.constant 128 : i32
        %dma_start3A_228 = arith.constant 0 : i32
        %dma_start3A_229 = tpu.memref_slice %arg10[%dma_start3A_227, %dma_start3A_228] : memref<200x64xf32, #tpu.memory_space<vmem>> -> memref<72x64xf32, #tpu.memory_space<vmem>>
        %dma_start3A_230 = tpu.memref_slice %arg6[%add3A_226] : memref<6400xi32, #tpu.memory_space<vmem>> -> memref<72xi32, #tpu.memory_space<vmem>>
        %dma_start3A_231 = arith.constant 0 : i32
        %dma_start3A_232 = arith.constant 0 : i32
        %dma_start3A_233 = tpu.memref_slice %arg2[%dma_start3A_231, %dma_start3A_232] : memref<100000x64xf32, #tpu.memory_space<hbm>> -> memref<100000x64xf32, #tpu.memory_space<hbm>>
        tpu.enqueue_indirect_dma source(%dma_start3A_233 : memref<100000x64xf32, #tpu.memory_space<hbm>>) target(%dma_start3A_229 : memref<72x64xf32, #tpu.memory_space<vmem>>) offsets(%dma_start3A_230 : memref<72xi32, #tpu.memory_space<vmem>>) semaphore(%arg15 : memref<!tpu.dma_semaphore, #tpu.memory_space<semaphore_mem>>)
      } else {
      }
      %dma_wait3A_85 = arith.constant 0 : i32
      %dma_wait3A_86 = arith.constant 0 : i32
      %dma_wait3A_87 = tpu.memref_slice %arg2[%dma_wait3A_85, %dma_wait3A_86] : memref<100000x64xf32, #tpu.memory_space<hbm>> -> memref<200x64xf32, #tpu.memory_space<hbm>>
      %dma_wait3A_88 = arith.constant 0 : i32
      %dma_wait3A_89 = arith.constant 0 : i32
      %dma_wait3A_90 = tpu.memref_slice %arg2[%dma_wait3A_88, %dma_wait3A_89] : memref<100000x64xf32, #tpu.memory_space<hbm>> -> memref<200x64xf32, #tpu.memory_space<hbm>>
      tpu.wait_dma2 semaphore(%arg12 : memref<!tpu.dma_semaphore, #tpu.memory_space<semaphore_mem>>) src(%dma_wait3A_90 : memref<200x64xf32, #tpu.memory_space<hbm>>) dst(%arg7 : memref<200x64xf32, #tpu.memory_space<vmem>>)
      %scan3A_91 = arith.constant 0 : i32
      %scan3A_92 = arith.constant 200 : i32
      %scan3A_93 = arith.addi %scan3A_91, %scan3A_92 : i32
      %scan3A_94 = arith.constant 4 : i32
      scf.for %scan3A_209 = %scan3A_91 to %scan3A_93 step %scan3A_94  : i32 {
        %mul3A_210 = arith.constant 1 : i32
        %mul3A_211 = arith.muli %scan3A_209, %mul3A_210 : i32
        %add3A_212 = arith.constant 0 : i32
        %add3A_213 = arith.addi %add3A_212, %mul3A_211 : i32
        %get3A = arith.index_cast %add3A_213 : i32 to index
        %get3A_214 = arith.constant 0 : index
        %get3A_215 = tpu.vector_load %arg11[%get3A, %get3A_214] {strides = array<i32>} : memref<200x64xf32, #tpu.memory_space<vmem>>, vector<1x16xf32>,
        %get3A_216 = vector.shape_cast %get3A_215 : vector<1x16xf32> to vector<16xf32>
        %swap3A = arith.index_cast %add3A_213 : i32 to index
        %swap3A_217 = arith.constant 0 : index
        %swap3A_218 = tpu.vector_load %arg7[%swap3A, %swap3A_217] {strides = array<i32>} : memref<200x64xf32, #tpu.memory_space<vmem>>, vector<1x16xf32>,
        %swap3A_219 = vector.shape_cast %swap3A_218 : vector<1x16xf32> to vector<16xf32>
        %swap3A_220 = vector.shape_cast %get3A_216 : vector<16xf32> to vector<1x16xf32>
        tpu.vector_store %arg7[%swap3A, %swap3A_217], %swap3A_220 {add = true, strides = array<i32>} : memref<200x64xf32, #tpu.memory_space<vmem>>, vector<1x16xf32>,
        %get3A_221 = arith.index_cast %add3A_213 : i32 to index
        %get3A_222 = arith.constant 16 : index
        %get3A_223 = tpu.vector_load %arg11[%get3A_221, %get3A_222] {strides = array<i32>} : memref<200x64xf32, #tpu.memory_space<vmem>>, vector<1x16xf32>,
        %get3A_224 = vector.shape_cast %get3A_223 : vector<1x16xf32> to vector<16xf32>
        %swap3A_225 = arith.index_cast %add3A_213 : i32 to index
        %swap3A_226 = arith.constant 16 : index
        %swap3A_227 = tpu.vector_load %arg7[%swap3A_225, %swap3A_226] {strides = array<i32>} : memref<200x64xf32, #tpu.memory_space<vmem>>, vector<1x16xf32>,
        %swap3A_228 = vector.shape_cast %swap3A_227 : vector<1x16xf32> to vector<16xf32>
        %swap3A_229 = vector.shape_cast %get3A_224 : vector<16xf32> to vector<1x16xf32>
        tpu.vector_store %arg7[%swap3A_225, %swap3A_226], %swap3A_229 {add = true, strides = array<i32>} : memref<200x64xf32, #tpu.memory_space<vmem>>, vector<1x16xf32>,
        %get3A_230 = arith.index_cast %add3A_213 : i32 to index
        %get3A_231 = arith.constant 32 : index
        %get3A_232 = tpu.vector_load %arg11[%get3A_230, %get3A_231] {strides = array<i32>} : memref<200x64xf32, #tpu.memory_space<vmem>>, vector<1x16xf32>,
        %get3A_233 = vector.shape_cast %get3A_232 : vector<1x16xf32> to vector<16xf32>
        %swap3A_234 = arith.index_cast %add3A_213 : i32 to index
        %swap3A_235 = arith.constant 32 : index
        %swap3A_236 = tpu.vector_load %arg7[%swap3A_234, %swap3A_235] {strides = array<i32>} : memref<200x64xf32, #tpu.memory_space<vmem>>, vector<1x16xf32>,
        %swap3A_237 = vector.shape_cast %swap3A_236 : vector<1x16xf32> to vector<16xf32>
        %swap3A_238 = vector.shape_cast %get3A_233 : vector<16xf32> to vector<1x16xf32>
        tpu.vector_store %arg7[%swap3A_234, %swap3A_235], %swap3A_238 {add = true, strides = array<i32>} : memref<200x64xf32, #tpu.memory_space<vmem>>, vector<1x16xf32>,
        %get3A_239 = arith.index_cast %add3A_213 : i32 to index
        %get3A_240 = arith.constant 48 : index
        %get3A_241 = tpu.vector_load %arg11[%get3A_239, %get3A_240] {strides = array<i32>} : memref<200x64xf32, #tpu.memory_space<vmem>>, vector<1x16xf32>,
        %get3A_242 = vector.shape_cast %get3A_241 : vector<1x16xf32> to vector<16xf32>
        %swap3A_243 = arith.index_cast %add3A_213 : i32 to index
        %swap3A_244 = arith.constant 48 : index
        %swap3A_245 = tpu.vector_load %arg7[%swap3A_243, %swap3A_244] {strides = array<i32>} : memref<200x64xf32, #tpu.memory_space<vmem>>, vector<1x16xf32>,
        %swap3A_246 = vector.shape_cast %swap3A_245 : vector<1x16xf32> to vector<16xf32>
        %swap3A_247 = vector.shape_cast %get3A_242 : vector<16xf32> to vector<1x16xf32>
        tpu.vector_store %arg7[%swap3A_243, %swap3A_244], %swap3A_247 {add = true, strides = array<i32>} : memref<200x64xf32, #tpu.memory_space<vmem>>, vector<1x16xf32>,
        %scan3A_248 = arith.constant 1 : i32
        %scan3A_249 = arith.addi %scan3A_209, %scan3A_248 : i32
        %mul3A_250 = arith.constant 1 : i32
        %mul3A_251 = arith.muli %scan3A_249, %mul3A_250 : i32
        %add3A_252 = arith.constant 0 : i32
        %add3A_253 = arith.addi %add3A_252, %mul3A_251 : i32
        %get3A_254 = arith.index_cast %add3A_253 : i32 to index
        %get3A_255 = arith.constant 0 : index
        %get3A_256 = tpu.vector_load %arg11[%get3A_254, %get3A_255] {strides = array<i32>} : memref<200x64xf32, #tpu.memory_space<vmem>>, vector<1x16xf32>,
        %get3A_257 = vector.shape_cast %get3A_256 : vector<1x16xf32> to vector<16xf32>
        %swap3A_258 = arith.index_cast %add3A_253 : i32 to index
        %swap3A_259 = arith.constant 0 : index
        %swap3A_260 = tpu.vector_load %arg7[%swap3A_258, %swap3A_259] {strides = array<i32>} : memref<200x64xf32, #tpu.memory_space<vmem>>, vector<1x16xf32>,
        %swap3A_261 = vector.shape_cast %swap3A_260 : vector<1x16xf32> to vector<16xf32>
        %swap3A_262 = vector.shape_cast %get3A_257 : vector<16xf32> to vector<1x16xf32>
        tpu.vector_store %arg7[%swap3A_258, %swap3A_259], %swap3A_262 {add = true, strides = array<i32>} : memref<200x64xf32, #tpu.memory_space<vmem>>, vector<1x16xf32>,
        %get3A_263 = arith.index_cast %add3A_253 : i32 to index
        %get3A_264 = arith.constant 16 : index
        %get3A_265 = tpu.vector_load %arg11[%get3A_263, %get3A_264] {strides = array<i32>} : memref<200x64xf32, #tpu.memory_space<vmem>>, vector<1x16xf32>,
        %get3A_266 = vector.shape_cast %get3A_265 : vector<1x16xf32> to vector<16xf32>
        %swap3A_267 = arith.index_cast %add3A_253 : i32 to index
        %swap3A_268 = arith.constant 16 : index
        %swap3A_269 = tpu.vector_load %arg7[%swap3A_267, %swap3A_268] {strides = array<i32>} : memref<200x64xf32, #tpu.memory_space<vmem>>, vector<1x16xf32>,
        %swap3A_270 = vector.shape_cast %swap3A_269 : vector<1x16xf32> to vector<16xf32>
        %swap3A_271 = vector.shape_cast %get3A_266 : vector<16xf32> to vector<1x16xf32>
        tpu.vector_store %arg7[%swap3A_267, %swap3A_268], %swap3A_271 {add = true, strides = array<i32>} : memref<200x64xf32, #tpu.memory_space<vmem>>, vector<1x16xf32>,
        %get3A_272 = arith.index_cast %add3A_253 : i32 to index
        %get3A_273 = arith.constant 32 : index
        %get3A_274 = tpu.vector_load %arg11[%get3A_272, %get3A_273] {strides = array<i32>} : memref<200x64xf32, #tpu.memory_space<vmem>>, vector<1x16xf32>,
        %get3A_275 = vector.shape_cast %get3A_274 : vector<1x16xf32> to vector<16xf32>
        %swap3A_276 = arith.index_cast %add3A_253 : i32 to index
        %swap3A_277 = arith.constant 32 : index
        %swap3A_278 = tpu.vector_load %arg7[%swap3A_276, %swap3A_277] {strides = array<i32>} : memref<200x64xf32, #tpu.memory_space<vmem>>, vector<1x16xf32>,
        %swap3A_279 = vector.shape_cast %swap3A_278 : vector<1x16xf32> to vector<16xf32>
        %swap3A_280 = vector.shape_cast %get3A_275 : vector<16xf32> to vector<1x16xf32>
        tpu.vector_store %arg7[%swap3A_276, %swap3A_277], %swap3A_280 {add = true, strides = array<i32>} : memref<200x64xf32, #tpu.memory_space<vmem>>, vector<1x16xf32>,
        %get3A_281 = arith.index_cast %add3A_253 : i32 to index
        %get3A_282 = arith.constant 48 : index
        %get3A_283 = tpu.vector_load %arg11[%get3A_281, %get3A_282] {strides = array<i32>} : memref<200x64xf32, #tpu.memory_space<vmem>>, vector<1x16xf32>,
        %get3A_284 = vector.shape_cast %get3A_283 : vector<1x16xf32> to vector<16xf32>
        %swap3A_285 = arith.index_cast %add3A_253 : i32 to index
        %swap3A_286 = arith.constant 48 : index
        %swap3A_287 = tpu.vector_load %arg7[%swap3A_285, %swap3A_286] {strides = array<i32>} : memref<200x64xf32, #tpu.memory_space<vmem>>, vector<1x16xf32>,
        %swap3A_288 = vector.shape_cast %swap3A_287 : vector<1x16xf32> to vector<16xf32>
        %swap3A_289 = vector.shape_cast %get3A_284 : vector<16xf32> to vector<1x16xf32>
        tpu.vector_store %arg7[%swap3A_285, %swap3A_286], %swap3A_289 {add = true, strides = array<i32>} : memref<200x64xf32, #tpu.memory_space<vmem>>, vector<1x16xf32>,
        %scan3A_290 = arith.constant 2 : i32
        %scan3A_291 = arith.addi %scan3A_209, %scan3A_290 : i32
        %mul3A_292 = arith.constant 1 : i32
        %mul3A_293 = arith.muli %scan3A_291, %mul3A_292 : i32
        %add3A_294 = arith.constant 0 : i32
        %add3A_295 = arith.addi %add3A_294, %mul3A_293 : i32
        %get3A_296 = arith.index_cast %add3A_295 : i32 to index
        %get3A_297 = arith.constant 0 : index
        %get3A_298 = tpu.vector_load %arg11[%get3A_296, %get3A_297] {strides = array<i32>} : memref<200x64xf32, #tpu.memory_space<vmem>>, vector<1x16xf32>,
        %get3A_299 = vector.shape_cast %get3A_298 : vector<1x16xf32> to vector<16xf32>
        %swap3A_300 = arith.index_cast %add3A_295 : i32 to index
        %swap3A_301 = arith.constant 0 : index
        %swap3A_302 = tpu.vector_load %arg7[%swap3A_300, %swap3A_301] {strides = array<i32>} : memref<200x64xf32, #tpu.memory_space<vmem>>, vector<1x16xf32>,
        %swap3A_303 = vector.shape_cast %swap3A_302 : vector<1x16xf32> to vector<16xf32>
        %swap3A_304 = vector.shape_cast %get3A_299 : vector<16xf32> to vector<1x16xf32>
        tpu.vector_store %arg7[%swap3A_300, %swap3A_301], %swap3A_304 {add = true, strides = array<i32>} : memref<200x64xf32, #tpu.memory_space<vmem>>, vector<1x16xf32>,
        %get3A_305 = arith.index_cast %add3A_295 : i32 to index
        %get3A_306 = arith.constant 16 : index
        %get3A_307 = tpu.vector_load %arg11[%get3A_305, %get3A_306] {strides = array<i32>} : memref<200x64xf32, #tpu.memory_space<vmem>>, vector<1x16xf32>,
        %get3A_308 = vector.shape_cast %get3A_307 : vector<1x16xf32> to vector<16xf32>
        %swap3A_309 = arith.index_cast %add3A_295 : i32 to index
        %swap3A_310 = arith.constant 16 : index
        %swap3A_311 = tpu.vector_load %arg7[%swap3A_309, %swap3A_310] {strides = array<i32>} : memref<200x64xf32, #tpu.memory_space<vmem>>, vector<1x16xf32>,
        %swap3A_312 = vector.shape_cast %swap3A_311 : vector<1x16xf32> to vector<16xf32>
        %swap3A_313 = vector.shape_cast %get3A_308 : vector<16xf32> to vector<1x16xf32>
        tpu.vector_store %arg7[%swap3A_309, %swap3A_310], %swap3A_313 {add = true, strides = array<i32>} : memref<200x64xf32, #tpu.memory_space<vmem>>, vector<1x16xf32>,
        %get3A_314 = arith.index_cast %add3A_295 : i32 to index
        %get3A_315 = arith.constant 32 : index
        %get3A_316 = tpu.vector_load %arg11[%get3A_314, %get3A_315] {strides = array<i32>} : memref<200x64xf32, #tpu.memory_space<vmem>>, vector<1x16xf32>,
        %get3A_317 = vector.shape_cast %get3A_316 : vector<1x16xf32> to vector<16xf32>
        %swap3A_318 = arith.index_cast %add3A_295 : i32 to index
        %swap3A_319 = arith.constant 32 : index
        %swap3A_320 = tpu.vector_load %arg7[%swap3A_318, %swap3A_319] {strides = array<i32>} : memref<200x64xf32, #tpu.memory_space<vmem>>, vector<1x16xf32>,
        %swap3A_321 = vector.shape_cast %swap3A_320 : vector<1x16xf32> to vector<16xf32>
        %swap3A_322 = vector.shape_cast %get3A_317 : vector<16xf32> to vector<1x16xf32>
        tpu.vector_store %arg7[%swap3A_318, %swap3A_319], %swap3A_322 {add = true, strides = array<i32>} : memref<200x64xf32, #tpu.memory_space<vmem>>, vector<1x16xf32>,
        %get3A_323 = arith.index_cast %add3A_295 : i32 to index
        %get3A_324 = arith.constant 48 : index
        %get3A_325 = tpu.vector_load %arg11[%get3A_323, %get3A_324] {strides = array<i32>} : memref<200x64xf32, #tpu.memory_space<vmem>>, vector<1x16xf32>,
        %get3A_326 = vector.shape_cast %get3A_325 : vector<1x16xf32> to vector<16xf32>
        %swap3A_327 = arith.index_cast %add3A_295 : i32 to index
        %swap3A_328 = arith.constant 48 : index
        %swap3A_329 = tpu.vector_load %arg7[%swap3A_327, %swap3A_328] {strides = array<i32>} : memref<200x64xf32, #tpu.memory_space<vmem>>, vector<1x16xf32>,
        %swap3A_330 = vector.shape_cast %swap3A_329 : vector<1x16xf32> to vector<16xf32>
        %swap3A_331 = vector.shape_cast %get3A_326 : vector<16xf32> to vector<1x16xf32>
        tpu.vector_store %arg7[%swap3A_327, %swap3A_328], %swap3A_331 {add = true, strides = array<i32>} : memref<200x64xf32, #tpu.memory_space<vmem>>, vector<1x16xf32>,
        %scan3A_332 = arith.constant 3 : i32
        %scan3A_333 = arith.addi %scan3A_209, %scan3A_332 : i32
        %mul3A_334 = arith.constant 1 : i32
        %mul3A_335 = arith.muli %scan3A_333, %mul3A_334 : i32
        %add3A_336 = arith.constant 0 : i32
        %add3A_337 = arith.addi %add3A_336, %mul3A_335 : i32
        %get3A_338 = arith.index_cast %add3A_337 : i32 to index
        %get3A_339 = arith.constant 0 : index
        %get3A_340 = tpu.vector_load %arg11[%get3A_338, %get3A_339] {strides = array<i32>} : memref<200x64xf32, #tpu.memory_space<vmem>>, vector<1x16xf32>,
        %get3A_341 = vector.shape_cast %get3A_340 : vector<1x16xf32> to vector<16xf32>
        %swap3A_342 = arith.index_cast %add3A_337 : i32 to index
        %swap3A_343 = arith.constant 0 : index
        %swap3A_344 = tpu.vector_load %arg7[%swap3A_342, %swap3A_343] {strides = array<i32>} : memref<200x64xf32, #tpu.memory_space<vmem>>, vector<1x16xf32>,
        %swap3A_345 = vector.shape_cast %swap3A_344 : vector<1x16xf32> to vector<16xf32>
        %swap3A_346 = vector.shape_cast %get3A_341 : vector<16xf32> to vector<1x16xf32>
        tpu.vector_store %arg7[%swap3A_342, %swap3A_343], %swap3A_346 {add = true, strides = array<i32>} : memref<200x64xf32, #tpu.memory_space<vmem>>, vector<1x16xf32>,
        %get3A_347 = arith.index_cast %add3A_337 : i32 to index
        %get3A_348 = arith.constant 16 : index
        %get3A_349 = tpu.vector_load %arg11[%get3A_347, %get3A_348] {strides = array<i32>} : memref<200x64xf32, #tpu.memory_space<vmem>>, vector<1x16xf32>,
        %get3A_350 = vector.shape_cast %get3A_349 : vector<1x16xf32> to vector<16xf32>
        %swap3A_351 = arith.index_cast %add3A_337 : i32 to index
        %swap3A_352 = arith.constant 16 : index
        %swap3A_353 = tpu.vector_load %arg7[%swap3A_351, %swap3A_352] {strides = array<i32>} : memref<200x64xf32, #tpu.memory_space<vmem>>, vector<1x16xf32>,
        %swap3A_354 = vector.shape_cast %swap3A_353 : vector<1x16xf32> to vector<16xf32>
        %swap3A_355 = vector.shape_cast %get3A_350 : vector<16xf32> to vector<1x16xf32>
        tpu.vector_store %arg7[%swap3A_351, %swap3A_352], %swap3A_355 {add = true, strides = array<i32>} : memref<200x64xf32, #tpu.memory_space<vmem>>, vector<1x16xf32>,
        %get3A_356 = arith.index_cast %add3A_337 : i32 to index
        %get3A_357 = arith.constant 32 : index
        %get3A_358 = tpu.vector_load %arg11[%get3A_356, %get3A_357] {strides = array<i32>} : memref<200x64xf32, #tpu.memory_space<vmem>>, vector<1x16xf32>,
        %get3A_359 = vector.shape_cast %get3A_358 : vector<1x16xf32> to vector<16xf32>
        %swap3A_360 = arith.index_cast %add3A_337 : i32 to index
        %swap3A_361 = arith.constant 32 : index
        %swap3A_362 = tpu.vector_load %arg7[%swap3A_360, %swap3A_361] {strides = array<i32>} : memref<200x64xf32, #tpu.memory_space<vmem>>, vector<1x16xf32>,
        %swap3A_363 = vector.shape_cast %swap3A_362 : vector<1x16xf32> to vector<16xf32>
        %swap3A_364 = vector.shape_cast %get3A_359 : vector<16xf32> to vector<1x16xf32>
        tpu.vector_store %arg7[%swap3A_360, %swap3A_361], %swap3A_364 {add = true, strides = array<i32>} : memref<200x64xf32, #tpu.memory_space<vmem>>, vector<1x16xf32>,
        %get3A_365 = arith.index_cast %add3A_337 : i32 to index
        %get3A_366 = arith.constant 48 : index
        %get3A_367 = tpu.vector_load %arg11[%get3A_365, %get3A_366] {strides = array<i32>} : memref<200x64xf32, #tpu.memory_space<vmem>>, vector<1x16xf32>,
        %get3A_368 = vector.shape_cast %get3A_367 : vector<1x16xf32> to vector<16xf32>
        %swap3A_369 = arith.index_cast %add3A_337 : i32 to index
        %swap3A_370 = arith.constant 48 : index
        %swap3A_371 = tpu.vector_load %arg7[%swap3A_369, %swap3A_370] {strides = array<i32>} : memref<200x64xf32, #tpu.memory_space<vmem>>, vector<1x16xf32>,
        %swap3A_372 = vector.shape_cast %swap3A_371 : vector<1x16xf32> to vector<16xf32>
        %swap3A_373 = vector.shape_cast %get3A_368 : vector<16xf32> to vector<1x16xf32>
        tpu.vector_store %arg7[%swap3A_369, %swap3A_370], %swap3A_373 {add = true, strides = array<i32>} : memref<200x64xf32, #tpu.memory_space<vmem>>, vector<1x16xf32>,
      }
      %scan3A_95 = arith.constant 200 : i32
      %mul3A_96 = arith.constant 200 : i32
      %mul3A_97 = arith.muli %add3A_75, %mul3A_96 : i32
      %multiple_of3A_98 = tpu.assume_multiple %mul3A_97, 200 : i32
      %add3A_99 = arith.addi %multiple_of3A, %multiple_of3A_98 : i32
      %dma_start3A_100 = arith.constant 0 : i32
      %dma_start3A_101 = tpu.memref_slice %arg5[%add3A_99, %dma_start3A_100] : memref<204800x64xf32, #tpu.memory_space<hbm>> -> memref<200x64xf32, #tpu.memory_space<hbm>>
      %dma_start3A_102 = arith.constant 0 : i32
      %dma_start3A_103 = tpu.memref_slice %arg5[%add3A_99, %dma_start3A_102] : memref<204800x64xf32, #tpu.memory_space<hbm>> -> memref<200x64xf32, #tpu.memory_space<hbm>>
      tpu.enqueue_dma source(%arg7 : memref<200x64xf32, #tpu.memory_space<vmem>>) target(%dma_start3A_103 : memref<200x64xf32, #tpu.memory_space<hbm>>) target_semaphore(%arg16 : memref<!tpu.dma_semaphore, #tpu.memory_space<semaphore_mem>>)
      %add3A_104 = arith.constant 1 : i32
      %add3A_105 = arith.addi %add3A_73, %add3A_104 : i32
      %ge3A_106 = arith.constant 1 : i32
      %ge3A_107 = arith.cmpi sge, %add3A_105, %ge3A_106 : i32
      %convert_element_type3A_108 = arith.extui %ge3A_107 : i1 to i32
      %cond3A_109 = arith.constant 0 : i32
      %cond3A_110 = arith.cmpi ne, %convert_element_type3A_108, %cond3A_109 : i32
      scf.if %cond3A_110 {
        %dma_wait3A_209 = arith.constant 0 : i32
        %dma_wait3A_210 = tpu.memref_slice %arg5[%multiple_of3A, %dma_wait3A_209] : memref<204800x64xf32, #tpu.memory_space<hbm>> -> memref<200x64xf32, #tpu.memory_space<hbm>>
        %dma_wait3A_211 = arith.constant 0 : i32
        %dma_wait3A_212 = tpu.memref_slice %arg5[%multiple_of3A, %dma_wait3A_211] : memref<204800x64xf32, #tpu.memory_space<hbm>> -> memref<200x64xf32, #tpu.memory_space<hbm>>
        tpu.wait_dma2 semaphore(%arg16 : memref<!tpu.dma_semaphore, #tpu.memory_space<semaphore_mem>>) src(%arg7 : memref<200x64xf32, #tpu.memory_space<vmem>>) dst(%dma_wait3A_212 : memref<200x64xf32, #tpu.memory_space<hbm>>)
      } else {
      }
      %add3A_111 = arith.constant 4 : i32
      %add3A_112 = arith.addi %add3A_105, %add3A_111 : i32
      %sub3A_113 = arith.constant 1 : i32
      %sub3A_114 = arith.subi %add3A_112, %sub3A_113 : i32
      %lt3A_115 = arith.constant 32 : i32
      %lt3A_116 = arith.cmpi slt, %sub3A_114, %lt3A_115 : i32
      %convert_element_type3A_117 = arith.extui %lt3A_116 : i1 to i32
      %cond3A_118 = arith.constant 0 : i32
      %cond3A_119 = arith.cmpi ne, %convert_element_type3A_117, %cond3A_118 : i32
      scf.if %cond3A_119 {
        %add3A_209 = arith.constant 4 : i32
        %add3A_210 = arith.addi %add3A_105, %add3A_209 : i32
        %sub3A_211 = arith.constant 1 : i32
        %sub3A_212 = arith.subi %add3A_210, %sub3A_211 : i32
        %mul3A_213 = arith.constant 200 : i32
        %mul3A_214 = arith.muli %sub3A_212, %mul3A_213 : i32
        %multiple_of3A_215 = tpu.assume_multiple %mul3A_214, 200 : i32
        %add3A_216 = arith.constant 0 : i32
        %add3A_217 = arith.addi %multiple_of3A_215, %add3A_216 : i32
        %dma_start3A_218 = arith.constant 0 : i32
        %dma_start3A_219 = arith.constant 0 : i32
        %dma_start3A_220 = tpu.memref_slice %arg7[%dma_start3A_218, %dma_start3A_219] : memref<200x64xf32, #tpu.memory_space<vmem>> -> memref<128x64xf32, #tpu.memory_space<vmem>>
        %dma_start3A_221 = tpu.memref_slice %arg6[%add3A_217] : memref<6400xi32, #tpu.memory_space<vmem>> -> memref<128xi32, #tpu.memory_space<vmem>>
        %dma_start3A_222 = arith.constant 0 : i32
        %dma_start3A_223 = arith.constant 0 : i32
        %dma_start3A_224 = tpu.memref_slice %arg2[%dma_start3A_222, %dma_start3A_223] : memref<100000x64xf32, #tpu.memory_space<hbm>> -> memref<100000x64xf32, #tpu.memory_space<hbm>>
        tpu.enqueue_indirect_dma source(%dma_start3A_224 : memref<100000x64xf32, #tpu.memory_space<hbm>>) target(%dma_start3A_220 : memref<128x64xf32, #tpu.memory_space<vmem>>) offsets(%dma_start3A_221 : memref<128xi32, #tpu.memory_space<vmem>>) semaphore(%arg12 : memref<!tpu.dma_semaphore, #tpu.memory_space<semaphore_mem>>)
        %add3A_225 = arith.constant 128 : i32
        %add3A_226 = arith.addi %multiple_of3A_215, %add3A_225 : i32
        %dma_start3A_227 = arith.constant 128 : i32
        %dma_start3A_228 = arith.constant 0 : i32
        %dma_start3A_229 = tpu.memref_slice %arg7[%dma_start3A_227, %dma_start3A_228] : memref<200x64xf32, #tpu.memory_space<vmem>> -> memref<72x64xf32, #tpu.memory_space<vmem>>
        %dma_start3A_230 = tpu.memref_slice %arg6[%add3A_226] : memref<6400xi32, #tpu.memory_space<vmem>> -> memref<72xi32, #tpu.memory_space<vmem>>
        %dma_start3A_231 = arith.constant 0 : i32
        %dma_start3A_232 = arith.constant 0 : i32
        %dma_start3A_233 = tpu.memref_slice %arg2[%dma_start3A_231, %dma_start3A_232] : memref<100000x64xf32, #tpu.memory_space<hbm>> -> memref<100000x64xf32, #tpu.memory_space<hbm>>
        tpu.enqueue_indirect_dma source(%dma_start3A_233 : memref<100000x64xf32, #tpu.memory_space<hbm>>) target(%dma_start3A_229 : memref<72x64xf32, #tpu.memory_space<vmem>>) offsets(%dma_start3A_230 : memref<72xi32, #tpu.memory_space<vmem>>) semaphore(%arg12 : memref<!tpu.dma_semaphore, #tpu.memory_space<semaphore_mem>>)
      } else {
      }
      %dma_wait3A_120 = arith.constant 0 : i32
      %dma_wait3A_121 = arith.constant 0 : i32
      %dma_wait3A_122 = tpu.memref_slice %arg2[%dma_wait3A_120, %dma_wait3A_121] : memref<100000x64xf32, #tpu.memory_space<hbm>> -> memref<200x64xf32, #tpu.memory_space<hbm>>
      %dma_wait3A_123 = arith.constant 0 : i32
      %dma_wait3A_124 = arith.constant 0 : i32
      %dma_wait3A_125 = tpu.memref_slice %arg2[%dma_wait3A_123, %dma_wait3A_124] : memref<100000x64xf32, #tpu.memory_space<hbm>> -> memref<200x64xf32, #tpu.memory_space<hbm>>
      tpu.wait_dma2 semaphore(%arg13 : memref<!tpu.dma_semaphore, #tpu.memory_space<semaphore_mem>>) src(%dma_wait3A_125 : memref<200x64xf32, #tpu.memory_space<hbm>>) dst(%arg8 : memref<200x64xf32, #tpu.memory_space<vmem>>)
      %scan3A_126 = arith.constant 0 : i32
      %scan3A_127 = arith.constant 200 : i32
      %scan3A_128 = arith.addi %scan3A_126, %scan3A_127 : i32
      %scan3A_129 = arith.constant 4 : i32
      scf.for %scan3A_209 = %scan3A_126 to %scan3A_128 step %scan3A_129  : i32 {
        %mul3A_210 = arith.constant 1 : i32
        %mul3A_211 = arith.muli %scan3A_209, %mul3A_210 : i32
        %add3A_212 = arith.constant 0 : i32
        %add3A_213 = arith.addi %add3A_212, %mul3A_211 : i32
        %get3A = arith.index_cast %add3A_213 : i32 to index
        %get3A_214 = arith.constant 0 : index
        %get3A_215 = tpu.vector_load %arg11[%get3A, %get3A_214] {strides = array<i32>} : memref<200x64xf32, #tpu.memory_space<vmem>>, vector<1x16xf32>,
        %get3A_216 = vector.shape_cast %get3A_215 : vector<1x16xf32> to vector<16xf32>
        %swap3A = arith.index_cast %add3A_213 : i32 to index
        %swap3A_217 = arith.constant 0 : index
        %swap3A_218 = tpu.vector_load %arg8[%swap3A, %swap3A_217] {strides = array<i32>} : memref<200x64xf32, #tpu.memory_space<vmem>>, vector<1x16xf32>,
        %swap3A_219 = vector.shape_cast %swap3A_218 : vector<1x16xf32> to vector<16xf32>
        %swap3A_220 = vector.shape_cast %get3A_216 : vector<16xf32> to vector<1x16xf32>
        tpu.vector_store %arg8[%swap3A, %swap3A_217], %swap3A_220 {add = true, strides = array<i32>} : memref<200x64xf32, #tpu.memory_space<vmem>>, vector<1x16xf32>,
        %get3A_221 = arith.index_cast %add3A_213 : i32 to index
        %get3A_222 = arith.constant 16 : index
        %get3A_223 = tpu.vector_load %arg11[%get3A_221, %get3A_222] {strides = array<i32>} : memref<200x64xf32, #tpu.memory_space<vmem>>, vector<1x16xf32>,
        %get3A_224 = vector.shape_cast %get3A_223 : vector<1x16xf32> to vector<16xf32>
        %swap3A_225 = arith.index_cast %add3A_213 : i32 to index
        %swap3A_226 = arith.constant 16 : index
        %swap3A_227 = tpu.vector_load %arg8[%swap3A_225, %swap3A_226] {strides = array<i32>} : memref<200x64xf32, #tpu.memory_space<vmem>>, vector<1x16xf32>,
        %swap3A_228 = vector.shape_cast %swap3A_227 : vector<1x16xf32> to vector<16xf32>
        %swap3A_229 = vector.shape_cast %get3A_224 : vector<16xf32> to vector<1x16xf32>
        tpu.vector_store %arg8[%swap3A_225, %swap3A_226], %swap3A_229 {add = true, strides = array<i32>} : memref<200x64xf32, #tpu.memory_space<vmem>>, vector<1x16xf32>,
        %get3A_230 = arith.index_cast %add3A_213 : i32 to index
        %get3A_231 = arith.constant 32 : index
        %get3A_232 = tpu.vector_load %arg11[%get3A_230, %get3A_231] {strides = array<i32>} : memref<200x64xf32, #tpu.memory_space<vmem>>, vector<1x16xf32>,
        %get3A_233 = vector.shape_cast %get3A_232 : vector<1x16xf32> to vector<16xf32>
        %swap3A_234 = arith.index_cast %add3A_213 : i32 to index
        %swap3A_235 = arith.constant 32 : index
        %swap3A_236 = tpu.vector_load %arg8[%swap3A_234, %swap3A_235] {strides = array<i32>} : memref<200x64xf32, #tpu.memory_space<vmem>>, vector<1x16xf32>,
        %swap3A_237 = vector.shape_cast %swap3A_236 : vector<1x16xf32> to vector<16xf32>
        %swap3A_238 = vector.shape_cast %get3A_233 : vector<16xf32> to vector<1x16xf32>
        tpu.vector_store %arg8[%swap3A_234, %swap3A_235], %swap3A_238 {add = true, strides = array<i32>} : memref<200x64xf32, #tpu.memory_space<vmem>>, vector<1x16xf32>,
        %get3A_239 = arith.index_cast %add3A_213 : i32 to index
        %get3A_240 = arith.constant 48 : index
        %get3A_241 = tpu.vector_load %arg11[%get3A_239, %get3A_240] {strides = array<i32>} : memref<200x64xf32, #tpu.memory_space<vmem>>, vector<1x16xf32>,
        %get3A_242 = vector.shape_cast %get3A_241 : vector<1x16xf32> to vector<16xf32>
        %swap3A_243 = arith.index_cast %add3A_213 : i32 to index
        %swap3A_244 = arith.constant 48 : index
        %swap3A_245 = tpu.vector_load %arg8[%swap3A_243, %swap3A_244] {strides = array<i32>} : memref<200x64xf32, #tpu.memory_space<vmem>>, vector<1x16xf32>,
        %swap3A_246 = vector.shape_cast %swap3A_245 : vector<1x16xf32> to vector<16xf32>
        %swap3A_247 = vector.shape_cast %get3A_242 : vector<16xf32> to vector<1x16xf32>
        tpu.vector_store %arg8[%swap3A_243, %swap3A_244], %swap3A_247 {add = true, strides = array<i32>} : memref<200x64xf32, #tpu.memory_space<vmem>>, vector<1x16xf32>,
        %scan3A_248 = arith.constant 1 : i32
        %scan3A_249 = arith.addi %scan3A_209, %scan3A_248 : i32
        %mul3A_250 = arith.constant 1 : i32
        %mul3A_251 = arith.muli %scan3A_249, %mul3A_250 : i32
        %add3A_252 = arith.constant 0 : i32
        %add3A_253 = arith.addi %add3A_252, %mul3A_251 : i32
        %get3A_254 = arith.index_cast %add3A_253 : i32 to index
        %get3A_255 = arith.constant 0 : index
        %get3A_256 = tpu.vector_load %arg11[%get3A_254, %get3A_255] {strides = array<i32>} : memref<200x64xf32, #tpu.memory_space<vmem>>, vector<1x16xf32>,
        %get3A_257 = vector.shape_cast %get3A_256 : vector<1x16xf32> to vector<16xf32>
        %swap3A_258 = arith.index_cast %add3A_253 : i32 to index
        %swap3A_259 = arith.constant 0 : index
        %swap3A_260 = tpu.vector_load %arg8[%swap3A_258, %swap3A_259] {strides = array<i32>} : memref<200x64xf32, #tpu.memory_space<vmem>>, vector<1x16xf32>,
        %swap3A_261 = vector.shape_cast %swap3A_260 : vector<1x16xf32> to vector<16xf32>
        %swap3A_262 = vector.shape_cast %get3A_257 : vector<16xf32> to vector<1x16xf32>
        tpu.vector_store %arg8[%swap3A_258, %swap3A_259], %swap3A_262 {add = true, strides = array<i32>} : memref<200x64xf32, #tpu.memory_space<vmem>>, vector<1x16xf32>,
        %get3A_263 = arith.index_cast %add3A_253 : i32 to index
        %get3A_264 = arith.constant 16 : index
        %get3A_265 = tpu.vector_load %arg11[%get3A_263, %get3A_264] {strides = array<i32>} : memref<200x64xf32, #tpu.memory_space<vmem>>, vector<1x16xf32>,
        %get3A_266 = vector.shape_cast %get3A_265 : vector<1x16xf32> to vector<16xf32>
        %swap3A_267 = arith.index_cast %add3A_253 : i32 to index
        %swap3A_268 = arith.constant 16 : index
        %swap3A_269 = tpu.vector_load %arg8[%swap3A_267, %swap3A_268] {strides = array<i32>} : memref<200x64xf32, #tpu.memory_space<vmem>>, vector<1x16xf32>,
        %swap3A_270 = vector.shape_cast %swap3A_269 : vector<1x16xf32> to vector<16xf32>
        %swap3A_271 = vector.shape_cast %get3A_266 : vector<16xf32> to vector<1x16xf32>
        tpu.vector_store %arg8[%swap3A_267, %swap3A_268], %swap3A_271 {add = true, strides = array<i32>} : memref<200x64xf32, #tpu.memory_space<vmem>>, vector<1x16xf32>,
        %get3A_272 = arith.index_cast %add3A_253 : i32 to index
        %get3A_273 = arith.constant 32 : index
        %get3A_274 = tpu.vector_load %arg11[%get3A_272, %get3A_273] {strides = array<i32>} : memref<200x64xf32, #tpu.memory_space<vmem>>, vector<1x16xf32>,
        %get3A_275 = vector.shape_cast %get3A_274 : vector<1x16xf32> to vector<16xf32>
        %swap3A_276 = arith.index_cast %add3A_253 : i32 to index
        %swap3A_277 = arith.constant 32 : index
        %swap3A_278 = tpu.vector_load %arg8[%swap3A_276, %swap3A_277] {strides = array<i32>} : memref<200x64xf32, #tpu.memory_space<vmem>>, vector<1x16xf32>,
        %swap3A_279 = vector.shape_cast %swap3A_278 : vector<1x16xf32> to vector<16xf32>
        %swap3A_280 = vector.shape_cast %get3A_275 : vector<16xf32> to vector<1x16xf32>
        tpu.vector_store %arg8[%swap3A_276, %swap3A_277], %swap3A_280 {add = true, strides = array<i32>} : memref<200x64xf32, #tpu.memory_space<vmem>>, vector<1x16xf32>,
        %get3A_281 = arith.index_cast %add3A_253 : i32 to index
        %get3A_282 = arith.constant 48 : index
        %get3A_283 = tpu.vector_load %arg11[%get3A_281, %get3A_282] {strides = array<i32>} : memref<200x64xf32, #tpu.memory_space<vmem>>, vector<1x16xf32>,
        %get3A_284 = vector.shape_cast %get3A_283 : vector<1x16xf32> to vector<16xf32>
        %swap3A_285 = arith.index_cast %add3A_253 : i32 to index
        %swap3A_286 = arith.constant 48 : index
        %swap3A_287 = tpu.vector_load %arg8[%swap3A_285, %swap3A_286] {strides = array<i32>} : memref<200x64xf32, #tpu.memory_space<vmem>>, vector<1x16xf32>,
        %swap3A_288 = vector.shape_cast %swap3A_287 : vector<1x16xf32> to vector<16xf32>
        %swap3A_289 = vector.shape_cast %get3A_284 : vector<16xf32> to vector<1x16xf32>
        tpu.vector_store %arg8[%swap3A_285, %swap3A_286], %swap3A_289 {add = true, strides = array<i32>} : memref<200x64xf32, #tpu.memory_space<vmem>>, vector<1x16xf32>,
        %scan3A_290 = arith.constant 2 : i32
        %scan3A_291 = arith.addi %scan3A_209, %scan3A_290 : i32
        %mul3A_292 = arith.constant 1 : i32
        %mul3A_293 = arith.muli %scan3A_291, %mul3A_292 : i32
        %add3A_294 = arith.constant 0 : i32
        %add3A_295 = arith.addi %add3A_294, %mul3A_293 : i32
        %get3A_296 = arith.index_cast %add3A_295 : i32 to index
        %get3A_297 = arith.constant 0 : index
        %get3A_298 = tpu.vector_load %arg11[%get3A_296, %get3A_297] {strides = array<i32>} : memref<200x64xf32, #tpu.memory_space<vmem>>, vector<1x16xf32>,
        %get3A_299 = vector.shape_cast %get3A_298 : vector<1x16xf32> to vector<16xf32>
        %swap3A_300 = arith.index_cast %add3A_295 : i32 to index
        %swap3A_301 = arith.constant 0 : index
        %swap3A_302 = tpu.vector_load %arg8[%swap3A_300, %swap3A_301] {strides = array<i32>} : memref<200x64xf32, #tpu.memory_space<vmem>>, vector<1x16xf32>,
        %swap3A_303 = vector.shape_cast %swap3A_302 : vector<1x16xf32> to vector<16xf32>
        %swap3A_304 = vector.shape_cast %get3A_299 : vector<16xf32> to vector<1x16xf32>
        tpu.vector_store %arg8[%swap3A_300, %swap3A_301], %swap3A_304 {add = true, strides = array<i32>} : memref<200x64xf32, #tpu.memory_space<vmem>>, vector<1x16xf32>,
        %get3A_305 = arith.index_cast %add3A_295 : i32 to index
        %get3A_306 = arith.constant 16 : index
        %get3A_307 = tpu.vector_load %arg11[%get3A_305, %get3A_306] {strides = array<i32>} : memref<200x64xf32, #tpu.memory_space<vmem>>, vector<1x16xf32>,
        %get3A_308 = vector.shape_cast %get3A_307 : vector<1x16xf32> to vector<16xf32>
        %swap3A_309 = arith.index_cast %add3A_295 : i32 to index
        %swap3A_310 = arith.constant 16 : index
        %swap3A_311 = tpu.vector_load %arg8[%swap3A_309, %swap3A_310] {strides = array<i32>} : memref<200x64xf32, #tpu.memory_space<vmem>>, vector<1x16xf32>,
        %swap3A_312 = vector.shape_cast %swap3A_311 : vector<1x16xf32> to vector<16xf32>
        %swap3A_313 = vector.shape_cast %get3A_308 : vector<16xf32> to vector<1x16xf32>
        tpu.vector_store %arg8[%swap3A_309, %swap3A_310], %swap3A_313 {add = true, strides = array<i32>} : memref<200x64xf32, #tpu.memory_space<vmem>>, vector<1x16xf32>,
        %get3A_314 = arith.index_cast %add3A_295 : i32 to index
        %get3A_315 = arith.constant 32 : index
        %get3A_316 = tpu.vector_load %arg11[%get3A_314, %get3A_315] {strides = array<i32>} : memref<200x64xf32, #tpu.memory_space<vmem>>, vector<1x16xf32>,
        %get3A_317 = vector.shape_cast %get3A_316 : vector<1x16xf32> to vector<16xf32>
        %swap3A_318 = arith.index_cast %add3A_295 : i32 to index
        %swap3A_319 = arith.constant 32 : index
        %swap3A_320 = tpu.vector_load %arg8[%swap3A_318, %swap3A_319] {strides = array<i32>} : memref<200x64xf32, #tpu.memory_space<vmem>>, vector<1x16xf32>,
        %swap3A_321 = vector.shape_cast %swap3A_320 : vector<1x16xf32> to vector<16xf32>
        %swap3A_322 = vector.shape_cast %get3A_317 : vector<16xf32> to vector<1x16xf32>
        tpu.vector_store %arg8[%swap3A_318, %swap3A_319], %swap3A_322 {add = true, strides = array<i32>} : memref<200x64xf32, #tpu.memory_space<vmem>>, vector<1x16xf32>,
        %get3A_323 = arith.index_cast %add3A_295 : i32 to index
        %get3A_324 = arith.constant 48 : index
        %get3A_325 = tpu.vector_load %arg11[%get3A_323, %get3A_324] {strides = array<i32>} : memref<200x64xf32, #tpu.memory_space<vmem>>, vector<1x16xf32>,
        %get3A_326 = vector.shape_cast %get3A_325 : vector<1x16xf32> to vector<16xf32>
        %swap3A_327 = arith.index_cast %add3A_295 : i32 to index
        %swap3A_328 = arith.constant 48 : index
        %swap3A_329 = tpu.vector_load %arg8[%swap3A_327, %swap3A_328] {strides = array<i32>} : memref<200x64xf32, #tpu.memory_space<vmem>>, vector<1x16xf32>,
        %swap3A_330 = vector.shape_cast %swap3A_329 : vector<1x16xf32> to vector<16xf32>
        %swap3A_331 = vector.shape_cast %get3A_326 : vector<16xf32> to vector<1x16xf32>
        tpu.vector_store %arg8[%swap3A_327, %swap3A_328], %swap3A_331 {add = true, strides = array<i32>} : memref<200x64xf32, #tpu.memory_space<vmem>>, vector<1x16xf32>,
        %scan3A_332 = arith.constant 3 : i32
        %scan3A_333 = arith.addi %scan3A_209, %scan3A_332 : i32
        %mul3A_334 = arith.constant 1 : i32
        %mul3A_335 = arith.muli %scan3A_333, %mul3A_334 : i32
        %add3A_336 = arith.constant 0 : i32
        %add3A_337 = arith.addi %add3A_336, %mul3A_335 : i32
        %get3A_338 = arith.index_cast %add3A_337 : i32 to index
        %get3A_339 = arith.constant 0 : index
        %get3A_340 = tpu.vector_load %arg11[%get3A_338, %get3A_339] {strides = array<i32>} : memref<200x64xf32, #tpu.memory_space<vmem>>, vector<1x16xf32>,
        %get3A_341 = vector.shape_cast %get3A_340 : vector<1x16xf32> to vector<16xf32>
        %swap3A_342 = arith.index_cast %add3A_337 : i32 to index
        %swap3A_343 = arith.constant 0 : index
        %swap3A_344 = tpu.vector_load %arg8[%swap3A_342, %swap3A_343] {strides = array<i32>} : memref<200x64xf32, #tpu.memory_space<vmem>>, vector<1x16xf32>,
        %swap3A_345 = vector.shape_cast %swap3A_344 : vector<1x16xf32> to vector<16xf32>
        %swap3A_346 = vector.shape_cast %get3A_341 : vector<16xf32> to vector<1x16xf32>
        tpu.vector_store %arg8[%swap3A_342, %swap3A_343], %swap3A_346 {add = true, strides = array<i32>} : memref<200x64xf32, #tpu.memory_space<vmem>>, vector<1x16xf32>,
        %get3A_347 = arith.index_cast %add3A_337 : i32 to index
        %get3A_348 = arith.constant 16 : index
        %get3A_349 = tpu.vector_load %arg11[%get3A_347, %get3A_348] {strides = array<i32>} : memref<200x64xf32, #tpu.memory_space<vmem>>, vector<1x16xf32>,
        %get3A_350 = vector.shape_cast %get3A_349 : vector<1x16xf32> to vector<16xf32>
        %swap3A_351 = arith.index_cast %add3A_337 : i32 to index
        %swap3A_352 = arith.constant 16 : index
        %swap3A_353 = tpu.vector_load %arg8[%swap3A_351, %swap3A_352] {strides = array<i32>} : memref<200x64xf32, #tpu.memory_space<vmem>>, vector<1x16xf32>,
        %swap3A_354 = vector.shape_cast %swap3A_353 : vector<1x16xf32> to vector<16xf32>
        %swap3A_355 = vector.shape_cast %get3A_350 : vector<16xf32> to vector<1x16xf32>
        tpu.vector_store %arg8[%swap3A_351, %swap3A_352], %swap3A_355 {add = true, strides = array<i32>} : memref<200x64xf32, #tpu.memory_space<vmem>>, vector<1x16xf32>,
        %get3A_356 = arith.index_cast %add3A_337 : i32 to index
        %get3A_357 = arith.constant 32 : index
        %get3A_358 = tpu.vector_load %arg11[%get3A_356, %get3A_357] {strides = array<i32>} : memref<200x64xf32, #tpu.memory_space<vmem>>, vector<1x16xf32>,
        %get3A_359 = vector.shape_cast %get3A_358 : vector<1x16xf32> to vector<16xf32>
        %swap3A_360 = arith.index_cast %add3A_337 : i32 to index
        %swap3A_361 = arith.constant 32 : index
        %swap3A_362 = tpu.vector_load %arg8[%swap3A_360, %swap3A_361] {strides = array<i32>} : memref<200x64xf32, #tpu.memory_space<vmem>>, vector<1x16xf32>,
        %swap3A_363 = vector.shape_cast %swap3A_362 : vector<1x16xf32> to vector<16xf32>
        %swap3A_364 = vector.shape_cast %get3A_359 : vector<16xf32> to vector<1x16xf32>
        tpu.vector_store %arg8[%swap3A_360, %swap3A_361], %swap3A_364 {add = true, strides = array<i32>} : memref<200x64xf32, #tpu.memory_space<vmem>>, vector<1x16xf32>,
        %get3A_365 = arith.index_cast %add3A_337 : i32 to index
        %get3A_366 = arith.constant 48 : index
        %get3A_367 = tpu.vector_load %arg11[%get3A_365, %get3A_366] {strides = array<i32>} : memref<200x64xf32, #tpu.memory_space<vmem>>, vector<1x16xf32>,
        %get3A_368 = vector.shape_cast %get3A_367 : vector<1x16xf32> to vector<16xf32>
        %swap3A_369 = arith.index_cast %add3A_337 : i32 to index
        %swap3A_370 = arith.constant 48 : index
        %swap3A_371 = tpu.vector_load %arg8[%swap3A_369, %swap3A_370] {strides = array<i32>} : memref<200x64xf32, #tpu.memory_space<vmem>>, vector<1x16xf32>,
        %swap3A_372 = vector.shape_cast %swap3A_371 : vector<1x16xf32> to vector<16xf32>
        %swap3A_373 = vector.shape_cast %get3A_368 : vector<16xf32> to vector<1x16xf32>
        tpu.vector_store %arg8[%swap3A_369, %swap3A_370], %swap3A_373 {add = true, strides = array<i32>} : memref<200x64xf32, #tpu.memory_space<vmem>>, vector<1x16xf32>,
      }
      %scan3A_130 = arith.constant 200 : i32
      %mul3A_131 = arith.constant 200 : i32
      %mul3A_132 = arith.muli %add3A_105, %mul3A_131 : i32
      %multiple_of3A_133 = tpu.assume_multiple %mul3A_132, 200 : i32
      %add3A_134 = arith.addi %multiple_of3A, %multiple_of3A_133 : i32
      %dma_start3A_135 = arith.constant 0 : i32
      %dma_start3A_136 = tpu.memref_slice %arg5[%add3A_134, %dma_start3A_135] : memref<204800x64xf32, #tpu.memory_space<hbm>> -> memref<200x64xf32, #tpu.memory_space<hbm>>
      %dma_start3A_137 = arith.constant 0 : i32
      %dma_start3A_138 = tpu.memref_slice %arg5[%add3A_134, %dma_start3A_137] : memref<204800x64xf32, #tpu.memory_space<hbm>> -> memref<200x64xf32, #tpu.memory_space<hbm>>
      tpu.enqueue_dma source(%arg8 : memref<200x64xf32, #tpu.memory_space<vmem>>) target(%dma_start3A_138 : memref<200x64xf32, #tpu.memory_space<hbm>>) target_semaphore(%arg17 : memref<!tpu.dma_semaphore, #tpu.memory_space<semaphore_mem>>)
      %add3A_139 = arith.constant 2 : i32
      %add3A_140 = arith.addi %add3A_73, %add3A_139 : i32
      %ge3A_141 = arith.constant 1 : i32
      %ge3A_142 = arith.cmpi sge, %add3A_140, %ge3A_141 : i32
      %convert_element_type3A_143 = arith.extui %ge3A_142 : i1 to i32
      %cond3A_144 = arith.constant 0 : i32
      %cond3A_145 = arith.cmpi ne, %convert_element_type3A_143, %cond3A_144 : i32
      scf.if %cond3A_145 {
        %dma_wait3A_209 = arith.constant 0 : i32
        %dma_wait3A_210 = tpu.memref_slice %arg5[%multiple_of3A, %dma_wait3A_209] : memref<204800x64xf32, #tpu.memory_space<hbm>> -> memref<200x64xf32, #tpu.memory_space<hbm>>
        %dma_wait3A_211 = arith.constant 0 : i32
        %dma_wait3A_212 = tpu.memref_slice %arg5[%multiple_of3A, %dma_wait3A_211] : memref<204800x64xf32, #tpu.memory_space<hbm>> -> memref<200x64xf32, #tpu.memory_space<hbm>>
        tpu.wait_dma2 semaphore(%arg17 : memref<!tpu.dma_semaphore, #tpu.memory_space<semaphore_mem>>) src(%arg8 : memref<200x64xf32, #tpu.memory_space<vmem>>) dst(%dma_wait3A_212 : memref<200x64xf32, #tpu.memory_space<hbm>>)
      } else {
      }
      %add3A_146 = arith.constant 4 : i32
      %add3A_147 = arith.addi %add3A_140, %add3A_146 : i32
      %sub3A_148 = arith.constant 1 : i32
      %sub3A_149 = arith.subi %add3A_147, %sub3A_148 : i32
      %lt3A_150 = arith.constant 32 : i32
      %lt3A_151 = arith.cmpi slt, %sub3A_149, %lt3A_150 : i32
      %convert_element_type3A_152 = arith.extui %lt3A_151 : i1 to i32
      %cond3A_153 = arith.constant 0 : i32
      %cond3A_154 = arith.cmpi ne, %convert_element_type3A_152, %cond3A_153 : i32
      scf.if %cond3A_154 {
        %add3A_209 = arith.constant 4 : i32
        %add3A_210 = arith.addi %add3A_140, %add3A_209 : i32
        %sub3A_211 = arith.constant 1 : i32
        %sub3A_212 = arith.subi %add3A_210, %sub3A_211 : i32
        %mul3A_213 = arith.constant 200 : i32
        %mul3A_214 = arith.muli %sub3A_212, %mul3A_213 : i32
        %multiple_of3A_215 = tpu.assume_multiple %mul3A_214, 200 : i32
        %add3A_216 = arith.constant 0 : i32
        %add3A_217 = arith.addi %multiple_of3A_215, %add3A_216 : i32
        %dma_start3A_218 = arith.constant 0 : i32
        %dma_start3A_219 = arith.constant 0 : i32
        %dma_start3A_220 = tpu.memref_slice %arg8[%dma_start3A_218, %dma_start3A_219] : memref<200x64xf32, #tpu.memory_space<vmem>> -> memref<128x64xf32, #tpu.memory_space<vmem>>
        %dma_start3A_221 = tpu.memref_slice %arg6[%add3A_217] : memref<6400xi32, #tpu.memory_space<vmem>> -> memref<128xi32, #tpu.memory_space<vmem>>
        %dma_start3A_222 = arith.constant 0 : i32
        %dma_start3A_223 = arith.constant 0 : i32
        %dma_start3A_224 = tpu.memref_slice %arg2[%dma_start3A_222, %dma_start3A_223] : memref<100000x64xf32, #tpu.memory_space<hbm>> -> memref<100000x64xf32, #tpu.memory_space<hbm>>
        tpu.enqueue_indirect_dma source(%dma_start3A_224 : memref<100000x64xf32, #tpu.memory_space<hbm>>) target(%dma_start3A_220 : memref<128x64xf32, #tpu.memory_space<vmem>>) offsets(%dma_start3A_221 : memref<128xi32, #tpu.memory_space<vmem>>) semaphore(%arg13 : memref<!tpu.dma_semaphore, #tpu.memory_space<semaphore_mem>>)
        %add3A_225 = arith.constant 128 : i32
        %add3A_226 = arith.addi %multiple_of3A_215, %add3A_225 : i32
        %dma_start3A_227 = arith.constant 128 : i32
        %dma_start3A_228 = arith.constant 0 : i32
        %dma_start3A_229 = tpu.memref_slice %arg8[%dma_start3A_227, %dma_start3A_228] : memref<200x64xf32, #tpu.memory_space<vmem>> -> memref<72x64xf32, #tpu.memory_space<vmem>>
        %dma_start3A_230 = tpu.memref_slice %arg6[%add3A_226] : memref<6400xi32, #tpu.memory_space<vmem>> -> memref<72xi32, #tpu.memory_space<vmem>>
        %dma_start3A_231 = arith.constant 0 : i32
        %dma_start3A_232 = arith.constant 0 : i32
        %dma_start3A_233 = tpu.memref_slice %arg2[%dma_start3A_231, %dma_start3A_232] : memref<100000x64xf32, #tpu.memory_space<hbm>> -> memref<100000x64xf32, #tpu.memory_space<hbm>>
        tpu.enqueue_indirect_dma source(%dma_start3A_233 : memref<100000x64xf32, #tpu.memory_space<hbm>>) target(%dma_start3A_229 : memref<72x64xf32, #tpu.memory_space<vmem>>) offsets(%dma_start3A_230 : memref<72xi32, #tpu.memory_space<vmem>>) semaphore(%arg13 : memref<!tpu.dma_semaphore, #tpu.memory_space<semaphore_mem>>)
      } else {
      }
      %dma_wait3A_155 = arith.constant 0 : i32
      %dma_wait3A_156 = arith.constant 0 : i32
      %dma_wait3A_157 = tpu.memref_slice %arg2[%dma_wait3A_155, %dma_wait3A_156] : memref<100000x64xf32, #tpu.memory_space<hbm>> -> memref<200x64xf32, #tpu.memory_space<hbm>>
      %dma_wait3A_158 = arith.constant 0 : i32
      %dma_wait3A_159 = arith.constant 0 : i32
      %dma_wait3A_160 = tpu.memref_slice %arg2[%dma_wait3A_158, %dma_wait3A_159] : memref<100000x64xf32, #tpu.memory_space<hbm>> -> memref<200x64xf32, #tpu.memory_space<hbm>>
      tpu.wait_dma2 semaphore(%arg14 : memref<!tpu.dma_semaphore, #tpu.memory_space<semaphore_mem>>) src(%dma_wait3A_160 : memref<200x64xf32, #tpu.memory_space<hbm>>) dst(%arg9 : memref<200x64xf32, #tpu.memory_space<vmem>>)
      %scan3A_161 = arith.constant 0 : i32
      %scan3A_162 = arith.constant 200 : i32
      %scan3A_163 = arith.addi %scan3A_161, %scan3A_162 : i32
      %scan3A_164 = arith.constant 4 : i32
      scf.for %scan3A_209 = %scan3A_161 to %scan3A_163 step %scan3A_164  : i32 {
        %mul3A_210 = arith.constant 1 : i32
        %mul3A_211 = arith.muli %scan3A_209, %mul3A_210 : i32
        %add3A_212 = arith.constant 0 : i32
        %add3A_213 = arith.addi %add3A_212, %mul3A_211 : i32
        %get3A = arith.index_cast %add3A_213 : i32 to index
        %get3A_214 = arith.constant 0 : index
        %get3A_215 = tpu.vector_load %arg11[%get3A, %get3A_214] {strides = array<i32>} : memref<200x64xf32, #tpu.memory_space<vmem>>, vector<1x16xf32>,
        %get3A_216 = vector.shape_cast %get3A_215 : vector<1x16xf32> to vector<16xf32>
        %swap3A = arith.index_cast %add3A_213 : i32 to index
        %swap3A_217 = arith.constant 0 : index
        %swap3A_218 = tpu.vector_load %arg9[%swap3A, %swap3A_217] {strides = array<i32>} : memref<200x64xf32, #tpu.memory_space<vmem>>, vector<1x16xf32>,
        %swap3A_219 = vector.shape_cast %swap3A_218 : vector<1x16xf32> to vector<16xf32>
        %swap3A_220 = vector.shape_cast %get3A_216 : vector<16xf32> to vector<1x16xf32>
        tpu.vector_store %arg9[%swap3A, %swap3A_217], %swap3A_220 {add = true, strides = array<i32>} : memref<200x64xf32, #tpu.memory_space<vmem>>, vector<1x16xf32>,
        %get3A_221 = arith.index_cast %add3A_213 : i32 to index
        %get3A_222 = arith.constant 16 : index
        %get3A_223 = tpu.vector_load %arg11[%get3A_221, %get3A_222] {strides = array<i32>} : memref<200x64xf32, #tpu.memory_space<vmem>>, vector<1x16xf32>,
        %get3A_224 = vector.shape_cast %get3A_223 : vector<1x16xf32> to vector<16xf32>
        %swap3A_225 = arith.index_cast %add3A_213 : i32 to index
        %swap3A_226 = arith.constant 16 : index
        %swap3A_227 = tpu.vector_load %arg9[%swap3A_225, %swap3A_226] {strides = array<i32>} : memref<200x64xf32, #tpu.memory_space<vmem>>, vector<1x16xf32>,
        %swap3A_228 = vector.shape_cast %swap3A_227 : vector<1x16xf32> to vector<16xf32>
        %swap3A_229 = vector.shape_cast %get3A_224 : vector<16xf32> to vector<1x16xf32>
        tpu.vector_store %arg9[%swap3A_225, %swap3A_226], %swap3A_229 {add = true, strides = array<i32>} : memref<200x64xf32, #tpu.memory_space<vmem>>, vector<1x16xf32>,
        %get3A_230 = arith.index_cast %add3A_213 : i32 to index
        %get3A_231 = arith.constant 32 : index
        %get3A_232 = tpu.vector_load %arg11[%get3A_230, %get3A_231] {strides = array<i32>} : memref<200x64xf32, #tpu.memory_space<vmem>>, vector<1x16xf32>,
        %get3A_233 = vector.shape_cast %get3A_232 : vector<1x16xf32> to vector<16xf32>
        %swap3A_234 = arith.index_cast %add3A_213 : i32 to index
        %swap3A_235 = arith.constant 32 : index
        %swap3A_236 = tpu.vector_load %arg9[%swap3A_234, %swap3A_235] {strides = array<i32>} : memref<200x64xf32, #tpu.memory_space<vmem>>, vector<1x16xf32>,
        %swap3A_237 = vector.shape_cast %swap3A_236 : vector<1x16xf32> to vector<16xf32>
        %swap3A_238 = vector.shape_cast %get3A_233 : vector<16xf32> to vector<1x16xf32>
        tpu.vector_store %arg9[%swap3A_234, %swap3A_235], %swap3A_238 {add = true, strides = array<i32>} : memref<200x64xf32, #tpu.memory_space<vmem>>, vector<1x16xf32>,
        %get3A_239 = arith.index_cast %add3A_213 : i32 to index
        %get3A_240 = arith.constant 48 : index
        %get3A_241 = tpu.vector_load %arg11[%get3A_239, %get3A_240] {strides = array<i32>} : memref<200x64xf32, #tpu.memory_space<vmem>>, vector<1x16xf32>,
        %get3A_242 = vector.shape_cast %get3A_241 : vector<1x16xf32> to vector<16xf32>
        %swap3A_243 = arith.index_cast %add3A_213 : i32 to index
        %swap3A_244 = arith.constant 48 : index
        %swap3A_245 = tpu.vector_load %arg9[%swap3A_243, %swap3A_244] {strides = array<i32>} : memref<200x64xf32, #tpu.memory_space<vmem>>, vector<1x16xf32>,
        %swap3A_246 = vector.shape_cast %swap3A_245 : vector<1x16xf32> to vector<16xf32>
        %swap3A_247 = vector.shape_cast %get3A_242 : vector<16xf32> to vector<1x16xf32>
        tpu.vector_store %arg9[%swap3A_243, %swap3A_244], %swap3A_247 {add = true, strides = array<i32>} : memref<200x64xf32, #tpu.memory_space<vmem>>, vector<1x16xf32>,
        %scan3A_248 = arith.constant 1 : i32
        %scan3A_249 = arith.addi %scan3A_209, %scan3A_248 : i32
        %mul3A_250 = arith.constant 1 : i32
        %mul3A_251 = arith.muli %scan3A_249, %mul3A_250 : i32
        %add3A_252 = arith.constant 0 : i32
        %add3A_253 = arith.addi %add3A_252, %mul3A_251 : i32
        %get3A_254 = arith.index_cast %add3A_253 : i32 to index
        %get3A_255 = arith.constant 0 : index
        %get3A_256 = tpu.vector_load %arg11[%get3A_254, %get3A_255] {strides = array<i32>} : memref<200x64xf32, #tpu.memory_space<vmem>>, vector<1x16xf32>,
        %get3A_257 = vector.shape_cast %get3A_256 : vector<1x16xf32> to vector<16xf32>
        %swap3A_258 = arith.index_cast %add3A_253 : i32 to index
        %swap3A_259 = arith.constant 0 : index
        %swap3A_260 = tpu.vector_load %arg9[%swap3A_258, %swap3A_259] {strides = array<i32>} : memref<200x64xf32, #tpu.memory_space<vmem>>, vector<1x16xf32>,
        %swap3A_261 = vector.shape_cast %swap3A_260 : vector<1x16xf32> to vector<16xf32>
        %swap3A_262 = vector.shape_cast %get3A_257 : vector<16xf32> to vector<1x16xf32>
        tpu.vector_store %arg9[%swap3A_258, %swap3A_259], %swap3A_262 {add = true, strides = array<i32>} : memref<200x64xf32, #tpu.memory_space<vmem>>, vector<1x16xf32>,
        %get3A_263 = arith.index_cast %add3A_253 : i32 to index
        %get3A_264 = arith.constant 16 : index
        %get3A_265 = tpu.vector_load %arg11[%get3A_263, %get3A_264] {strides = array<i32>} : memref<200x64xf32, #tpu.memory_space<vmem>>, vector<1x16xf32>,
        %get3A_266 = vector.shape_cast %get3A_265 : vector<1x16xf32> to vector<16xf32>
        %swap3A_267 = arith.index_cast %add3A_253 : i32 to index
        %swap3A_268 = arith.constant 16 : index
        %swap3A_269 = tpu.vector_load %arg9[%swap3A_267, %swap3A_268] {strides = array<i32>} : memref<200x64xf32, #tpu.memory_space<vmem>>, vector<1x16xf32>,
        %swap3A_270 = vector.shape_cast %swap3A_269 : vector<1x16xf32> to vector<16xf32>
        %swap3A_271 = vector.shape_cast %get3A_266 : vector<16xf32> to vector<1x16xf32>
        tpu.vector_store %arg9[%swap3A_267, %swap3A_268], %swap3A_271 {add = true, strides = array<i32>} : memref<200x64xf32, #tpu.memory_space<vmem>>, vector<1x16xf32>,
        %get3A_272 = arith.index_cast %add3A_253 : i32 to index
        %get3A_273 = arith.constant 32 : index
        %get3A_274 = tpu.vector_load %arg11[%get3A_272, %get3A_273] {strides = array<i32>} : memref<200x64xf32, #tpu.memory_space<vmem>>, vector<1x16xf32>,
        %get3A_275 = vector.shape_cast %get3A_274 : vector<1x16xf32> to vector<16xf32>
        %swap3A_276 = arith.index_cast %add3A_253 : i32 to index
        %swap3A_277 = arith.constant 32 : index
        %swap3A_278 = tpu.vector_load %arg9[%swap3A_276, %swap3A_277] {strides = array<i32>} : memref<200x64xf32, #tpu.memory_space<vmem>>, vector<1x16xf32>,
        %swap3A_279 = vector.shape_cast %swap3A_278 : vector<1x16xf32> to vector<16xf32>
        %swap3A_280 = vector.shape_cast %get3A_275 : vector<16xf32> to vector<1x16xf32>
        tpu.vector_store %arg9[%swap3A_276, %swap3A_277], %swap3A_280 {add = true, strides = array<i32>} : memref<200x64xf32, #tpu.memory_space<vmem>>, vector<1x16xf32>,
        %get3A_281 = arith.index_cast %add3A_253 : i32 to index
        %get3A_282 = arith.constant 48 : index
        %get3A_283 = tpu.vector_load %arg11[%get3A_281, %get3A_282] {strides = array<i32>} : memref<200x64xf32, #tpu.memory_space<vmem>>, vector<1x16xf32>,
        %get3A_284 = vector.shape_cast %get3A_283 : vector<1x16xf32> to vector<16xf32>
        %swap3A_285 = arith.index_cast %add3A_253 : i32 to index
        %swap3A_286 = arith.constant 48 : index
        %swap3A_287 = tpu.vector_load %arg9[%swap3A_285, %swap3A_286] {strides = array<i32>} : memref<200x64xf32, #tpu.memory_space<vmem>>, vector<1x16xf32>,
        %swap3A_288 = vector.shape_cast %swap3A_287 : vector<1x16xf32> to vector<16xf32>
        %swap3A_289 = vector.shape_cast %get3A_284 : vector<16xf32> to vector<1x16xf32>
        tpu.vector_store %arg9[%swap3A_285, %swap3A_286], %swap3A_289 {add = true, strides = array<i32>} : memref<200x64xf32, #tpu.memory_space<vmem>>, vector<1x16xf32>,
        %scan3A_290 = arith.constant 2 : i32
        %scan3A_291 = arith.addi %scan3A_209, %scan3A_290 : i32
        %mul3A_292 = arith.constant 1 : i32
        %mul3A_293 = arith.muli %scan3A_291, %mul3A_292 : i32
        %add3A_294 = arith.constant 0 : i32
        %add3A_295 = arith.addi %add3A_294, %mul3A_293 : i32
        %get3A_296 = arith.index_cast %add3A_295 : i32 to index
        %get3A_297 = arith.constant 0 : index
        %get3A_298 = tpu.vector_load %arg11[%get3A_296, %get3A_297] {strides = array<i32>} : memref<200x64xf32, #tpu.memory_space<vmem>>, vector<1x16xf32>,
        %get3A_299 = vector.shape_cast %get3A_298 : vector<1x16xf32> to vector<16xf32>
        %swap3A_300 = arith.index_cast %add3A_295 : i32 to index
        %swap3A_301 = arith.constant 0 : index
        %swap3A_302 = tpu.vector_load %arg9[%swap3A_300, %swap3A_301] {strides = array<i32>} : memref<200x64xf32, #tpu.memory_space<vmem>>, vector<1x16xf32>,
        %swap3A_303 = vector.shape_cast %swap3A_302 : vector<1x16xf32> to vector<16xf32>
        %swap3A_304 = vector.shape_cast %get3A_299 : vector<16xf32> to vector<1x16xf32>
        tpu.vector_store %arg9[%swap3A_300, %swap3A_301], %swap3A_304 {add = true, strides = array<i32>} : memref<200x64xf32, #tpu.memory_space<vmem>>, vector<1x16xf32>,
        %get3A_305 = arith.index_cast %add3A_295 : i32 to index
        %get3A_306 = arith.constant 16 : index
        %get3A_307 = tpu.vector_load %arg11[%get3A_305, %get3A_306] {strides = array<i32>} : memref<200x64xf32, #tpu.memory_space<vmem>>, vector<1x16xf32>,
        %get3A_308 = vector.shape_cast %get3A_307 : vector<1x16xf32> to vector<16xf32>
        %swap3A_309 = arith.index_cast %add3A_295 : i32 to index
        %swap3A_310 = arith.constant 16 : index
        %swap3A_311 = tpu.vector_load %arg9[%swap3A_309, %swap3A_310] {strides = array<i32>} : memref<200x64xf32, #tpu.memory_space<vmem>>, vector<1x16xf32>,
        %swap3A_312 = vector.shape_cast %swap3A_311 : vector<1x16xf32> to vector<16xf32>
        %swap3A_313 = vector.shape_cast %get3A_308 : vector<16xf32> to vector<1x16xf32>
        tpu.vector_store %arg9[%swap3A_309, %swap3A_310], %swap3A_313 {add = true, strides = array<i32>} : memref<200x64xf32, #tpu.memory_space<vmem>>, vector<1x16xf32>,
        %get3A_314 = arith.index_cast %add3A_295 : i32 to index
        %get3A_315 = arith.constant 32 : index
        %get3A_316 = tpu.vector_load %arg11[%get3A_314, %get3A_315] {strides = array<i32>} : memref<200x64xf32, #tpu.memory_space<vmem>>, vector<1x16xf32>,
        %get3A_317 = vector.shape_cast %get3A_316 : vector<1x16xf32> to vector<16xf32>
        %swap3A_318 = arith.index_cast %add3A_295 : i32 to index
        %swap3A_319 = arith.constant 32 : index
        %swap3A_320 = tpu.vector_load %arg9[%swap3A_318, %swap3A_319] {strides = array<i32>} : memref<200x64xf32, #tpu.memory_space<vmem>>, vector<1x16xf32>,
        %swap3A_321 = vector.shape_cast %swap3A_320 : vector<1x16xf32> to vector<16xf32>
        %swap3A_322 = vector.shape_cast %get3A_317 : vector<16xf32> to vector<1x16xf32>
        tpu.vector_store %arg9[%swap3A_318, %swap3A_319], %swap3A_322 {add = true, strides = array<i32>} : memref<200x64xf32, #tpu.memory_space<vmem>>, vector<1x16xf32>,
        %get3A_323 = arith.index_cast %add3A_295 : i32 to index
        %get3A_324 = arith.constant 48 : index
        %get3A_325 = tpu.vector_load %arg11[%get3A_323, %get3A_324] {strides = array<i32>} : memref<200x64xf32, #tpu.memory_space<vmem>>, vector<1x16xf32>,
        %get3A_326 = vector.shape_cast %get3A_325 : vector<1x16xf32> to vector<16xf32>
        %swap3A_327 = arith.index_cast %add3A_295 : i32 to index
        %swap3A_328 = arith.constant 48 : index
        %swap3A_329 = tpu.vector_load %arg9[%swap3A_327, %swap3A_328] {strides = array<i32>} : memref<200x64xf32, #tpu.memory_space<vmem>>, vector<1x16xf32>,
        %swap3A_330 = vector.shape_cast %swap3A_329 : vector<1x16xf32> to vector<16xf32>
        %swap3A_331 = vector.shape_cast %get3A_326 : vector<16xf32> to vector<1x16xf32>
        tpu.vector_store %arg9[%swap3A_327, %swap3A_328], %swap3A_331 {add = true, strides = array<i32>} : memref<200x64xf32, #tpu.memory_space<vmem>>, vector<1x16xf32>,
        %scan3A_332 = arith.constant 3 : i32
        %scan3A_333 = arith.addi %scan3A_209, %scan3A_332 : i32
        %mul3A_334 = arith.constant 1 : i32
        %mul3A_335 = arith.muli %scan3A_333, %mul3A_334 : i32
        %add3A_336 = arith.constant 0 : i32
        %add3A_337 = arith.addi %add3A_336, %mul3A_335 : i32
        %get3A_338 = arith.index_cast %add3A_337 : i32 to index
        %get3A_339 = arith.constant 0 : index
        %get3A_340 = tpu.vector_load %arg11[%get3A_338, %get3A_339] {strides = array<i32>} : memref<200x64xf32, #tpu.memory_space<vmem>>, vector<1x16xf32>,
        %get3A_341 = vector.shape_cast %get3A_340 : vector<1x16xf32> to vector<16xf32>
        %swap3A_342 = arith.index_cast %add3A_337 : i32 to index
        %swap3A_343 = arith.constant 0 : index
        %swap3A_344 = tpu.vector_load %arg9[%swap3A_342, %swap3A_343] {strides = array<i32>} : memref<200x64xf32, #tpu.memory_space<vmem>>, vector<1x16xf32>,
        %swap3A_345 = vector.shape_cast %swap3A_344 : vector<1x16xf32> to vector<16xf32>
        %swap3A_346 = vector.shape_cast %get3A_341 : vector<16xf32> to vector<1x16xf32>
        tpu.vector_store %arg9[%swap3A_342, %swap3A_343], %swap3A_346 {add = true, strides = array<i32>} : memref<200x64xf32, #tpu.memory_space<vmem>>, vector<1x16xf32>,
        %get3A_347 = arith.index_cast %add3A_337 : i32 to index
        %get3A_348 = arith.constant 16 : index
        %get3A_349 = tpu.vector_load %arg11[%get3A_347, %get3A_348] {strides = array<i32>} : memref<200x64xf32, #tpu.memory_space<vmem>>, vector<1x16xf32>,
        %get3A_350 = vector.shape_cast %get3A_349 : vector<1x16xf32> to vector<16xf32>
        %swap3A_351 = arith.index_cast %add3A_337 : i32 to index
        %swap3A_352 = arith.constant 16 : index
        %swap3A_353 = tpu.vector_load %arg9[%swap3A_351, %swap3A_352] {strides = array<i32>} : memref<200x64xf32, #tpu.memory_space<vmem>>, vector<1x16xf32>,
        %swap3A_354 = vector.shape_cast %swap3A_353 : vector<1x16xf32> to vector<16xf32>
        %swap3A_355 = vector.shape_cast %get3A_350 : vector<16xf32> to vector<1x16xf32>
        tpu.vector_store %arg9[%swap3A_351, %swap3A_352], %swap3A_355 {add = true, strides = array<i32>} : memref<200x64xf32, #tpu.memory_space<vmem>>, vector<1x16xf32>,
        %get3A_356 = arith.index_cast %add3A_337 : i32 to index
        %get3A_357 = arith.constant 32 : index
        %get3A_358 = tpu.vector_load %arg11[%get3A_356, %get3A_357] {strides = array<i32>} : memref<200x64xf32, #tpu.memory_space<vmem>>, vector<1x16xf32>,
        %get3A_359 = vector.shape_cast %get3A_358 : vector<1x16xf32> to vector<16xf32>
        %swap3A_360 = arith.index_cast %add3A_337 : i32 to index
        %swap3A_361 = arith.constant 32 : index
        %swap3A_362 = tpu.vector_load %arg9[%swap3A_360, %swap3A_361] {strides = array<i32>} : memref<200x64xf32, #tpu.memory_space<vmem>>, vector<1x16xf32>,
        %swap3A_363 = vector.shape_cast %swap3A_362 : vector<1x16xf32> to vector<16xf32>
        %swap3A_364 = vector.shape_cast %get3A_359 : vector<16xf32> to vector<1x16xf32>
        tpu.vector_store %arg9[%swap3A_360, %swap3A_361], %swap3A_364 {add = true, strides = array<i32>} : memref<200x64xf32, #tpu.memory_space<vmem>>, vector<1x16xf32>,
        %get3A_365 = arith.index_cast %add3A_337 : i32 to index
        %get3A_366 = arith.constant 48 : index
        %get3A_367 = tpu.vector_load %arg11[%get3A_365, %get3A_366] {strides = array<i32>} : memref<200x64xf32, #tpu.memory_space<vmem>>, vector<1x16xf32>,
        %get3A_368 = vector.shape_cast %get3A_367 : vector<1x16xf32> to vector<16xf32>
        %swap3A_369 = arith.index_cast %add3A_337 : i32 to index
        %swap3A_370 = arith.constant 48 : index
        %swap3A_371 = tpu.vector_load %arg9[%swap3A_369, %swap3A_370] {strides = array<i32>} : memref<200x64xf32, #tpu.memory_space<vmem>>, vector<1x16xf32>,
        %swap3A_372 = vector.shape_cast %swap3A_371 : vector<1x16xf32> to vector<16xf32>
        %swap3A_373 = vector.shape_cast %get3A_368 : vector<16xf32> to vector<1x16xf32>
        tpu.vector_store %arg9[%swap3A_369, %swap3A_370], %swap3A_373 {add = true, strides = array<i32>} : memref<200x64xf32, #tpu.memory_space<vmem>>, vector<1x16xf32>,
      }
      %scan3A_165 = arith.constant 200 : i32
      %mul3A_166 = arith.constant 200 : i32
      %mul3A_167 = arith.muli %add3A_140, %mul3A_166 : i32
      %multiple_of3A_168 = tpu.assume_multiple %mul3A_167, 200 : i32
      %add3A_169 = arith.addi %multiple_of3A, %multiple_of3A_168 : i32
      %dma_start3A_170 = arith.constant 0 : i32
      %dma_start3A_171 = tpu.memref_slice %arg5[%add3A_169, %dma_start3A_170] : memref<204800x64xf32, #tpu.memory_space<hbm>> -> memref<200x64xf32, #tpu.memory_space<hbm>>
      %dma_start3A_172 = arith.constant 0 : i32
      %dma_start3A_173 = tpu.memref_slice %arg5[%add3A_169, %dma_start3A_172] : memref<204800x64xf32, #tpu.memory_space<hbm>> -> memref<200x64xf32, #tpu.memory_space<hbm>>
      tpu.enqueue_dma source(%arg9 : memref<200x64xf32, #tpu.memory_space<vmem>>) target(%dma_start3A_173 : memref<200x64xf32, #tpu.memory_space<hbm>>) target_semaphore(%arg18 : memref<!tpu.dma_semaphore, #tpu.memory_space<semaphore_mem>>)
      %add3A_174 = arith.constant 3 : i32
      %add3A_175 = arith.addi %add3A_73, %add3A_174 : i32
      %ge3A_176 = arith.constant 1 : i32
      %ge3A_177 = arith.cmpi sge, %add3A_175, %ge3A_176 : i32
      %convert_element_type3A_178 = arith.extui %ge3A_177 : i1 to i32
      %cond3A_179 = arith.constant 0 : i32
      %cond3A_180 = arith.cmpi ne, %convert_element_type3A_178, %cond3A_179 : i32
      scf.if %cond3A_180 {
        %dma_wait3A_209 = arith.constant 0 : i32
        %dma_wait3A_210 = tpu.memref_slice %arg5[%multiple_of3A, %dma_wait3A_209] : memref<204800x64xf32, #tpu.memory_space<hbm>> -> memref<200x64xf32, #tpu.memory_space<hbm>>
        %dma_wait3A_211 = arith.constant 0 : i32
        %dma_wait3A_212 = tpu.memref_slice %arg5[%multiple_of3A, %dma_wait3A_211] : memref<204800x64xf32, #tpu.memory_space<hbm>> -> memref<200x64xf32, #tpu.memory_space<hbm>>
        tpu.wait_dma2 semaphore(%arg18 : memref<!tpu.dma_semaphore, #tpu.memory_space<semaphore_mem>>) src(%arg9 : memref<200x64xf32, #tpu.memory_space<vmem>>) dst(%dma_wait3A_212 : memref<200x64xf32, #tpu.memory_space<hbm>>)
      } else {
      }
      %add3A_181 = arith.constant 4 : i32
      %add3A_182 = arith.addi %add3A_175, %add3A_181 : i32
      %sub3A_183 = arith.constant 1 : i32
      %sub3A_184 = arith.subi %add3A_182, %sub3A_183 : i32
      %lt3A_185 = arith.constant 32 : i32
      %lt3A_186 = arith.cmpi slt, %sub3A_184, %lt3A_185 : i32
      %convert_element_type3A_187 = arith.extui %lt3A_186 : i1 to i32
      %cond3A_188 = arith.constant 0 : i32
      %cond3A_189 = arith.cmpi ne, %convert_element_type3A_187, %cond3A_188 : i32
      scf.if %cond3A_189 {
        %add3A_209 = arith.constant 4 : i32
        %add3A_210 = arith.addi %add3A_175, %add3A_209 : i32
        %sub3A_211 = arith.constant 1 : i32
        %sub3A_212 = arith.subi %add3A_210, %sub3A_211 : i32
        %mul3A_213 = arith.constant 200 : i32
        %mul3A_214 = arith.muli %sub3A_212, %mul3A_213 : i32
        %multiple_of3A_215 = tpu.assume_multiple %mul3A_214, 200 : i32
        %add3A_216 = arith.constant 0 : i32
        %add3A_217 = arith.addi %multiple_of3A_215, %add3A_216 : i32
        %dma_start3A_218 = arith.constant 0 : i32
        %dma_start3A_219 = arith.constant 0 : i32
        %dma_start3A_220 = tpu.memref_slice %arg9[%dma_start3A_218, %dma_start3A_219] : memref<200x64xf32, #tpu.memory_space<vmem>> -> memref<128x64xf32, #tpu.memory_space<vmem>>
        %dma_start3A_221 = tpu.memref_slice %arg6[%add3A_217] : memref<6400xi32, #tpu.memory_space<vmem>> -> memref<128xi32, #tpu.memory_space<vmem>>
        %dma_start3A_222 = arith.constant 0 : i32
        %dma_start3A_223 = arith.constant 0 : i32
        %dma_start3A_224 = tpu.memref_slice %arg2[%dma_start3A_222, %dma_start3A_223] : memref<100000x64xf32, #tpu.memory_space<hbm>> -> memref<100000x64xf32, #tpu.memory_space<hbm>>
        tpu.enqueue_indirect_dma source(%dma_start3A_224 : memref<100000x64xf32, #tpu.memory_space<hbm>>) target(%dma_start3A_220 : memref<128x64xf32, #tpu.memory_space<vmem>>) offsets(%dma_start3A_221 : memref<128xi32, #tpu.memory_space<vmem>>) semaphore(%arg14 : memref<!tpu.dma_semaphore, #tpu.memory_space<semaphore_mem>>)
        %add3A_225 = arith.constant 128 : i32
        %add3A_226 = arith.addi %multiple_of3A_215, %add3A_225 : i32
        %dma_start3A_227 = arith.constant 128 : i32
        %dma_start3A_228 = arith.constant 0 : i32
        %dma_start3A_229 = tpu.memref_slice %arg9[%dma_start3A_227, %dma_start3A_228] : memref<200x64xf32, #tpu.memory_space<vmem>> -> memref<72x64xf32, #tpu.memory_space<vmem>>
        %dma_start3A_230 = tpu.memref_slice %arg6[%add3A_226] : memref<6400xi32, #tpu.memory_space<vmem>> -> memref<72xi32, #tpu.memory_space<vmem>>
        %dma_start3A_231 = arith.constant 0 : i32
        %dma_start3A_232 = arith.constant 0 : i32
        %dma_start3A_233 = tpu.memref_slice %arg2[%dma_start3A_231, %dma_start3A_232] : memref<100000x64xf32, #tpu.memory_space<hbm>> -> memref<100000x64xf32, #tpu.memory_space<hbm>>
        tpu.enqueue_indirect_dma source(%dma_start3A_233 : memref<100000x64xf32, #tpu.memory_space<hbm>>) target(%dma_start3A_229 : memref<72x64xf32, #tpu.memory_space<vmem>>) offsets(%dma_start3A_230 : memref<72xi32, #tpu.memory_space<vmem>>) semaphore(%arg14 : memref<!tpu.dma_semaphore, #tpu.memory_space<semaphore_mem>>)
      } else {
      }
      %dma_wait3A_190 = arith.constant 0 : i32
      %dma_wait3A_191 = arith.constant 0 : i32
      %dma_wait3A_192 = tpu.memref_slice %arg2[%dma_wait3A_190, %dma_wait3A_191] : memref<100000x64xf32, #tpu.memory_space<hbm>> -> memref<200x64xf32, #tpu.memory_space<hbm>>
      %dma_wait3A_193 = arith.constant 0 : i32
      %dma_wait3A_194 = arith.constant 0 : i32
      %dma_wait3A_195 = tpu.memref_slice %arg2[%dma_wait3A_193, %dma_wait3A_194] : memref<100000x64xf32, #tpu.memory_space<hbm>> -> memref<200x64xf32, #tpu.memory_space<hbm>>
      tpu.wait_dma2 semaphore(%arg15 : memref<!tpu.dma_semaphore, #tpu.memory_space<semaphore_mem>>) src(%dma_wait3A_195 : memref<200x64xf32, #tpu.memory_space<hbm>>) dst(%arg10 : memref<200x64xf32, #tpu.memory_space<vmem>>)
      %scan3A_196 = arith.constant 0 : i32
      %scan3A_197 = arith.constant 200 : i32
      %scan3A_198 = arith.addi %scan3A_196, %scan3A_197 : i32
      %scan3A_199 = arith.constant 4 : i32
      scf.for %scan3A_209 = %scan3A_196 to %scan3A_198 step %scan3A_199  : i32 {
        %mul3A_210 = arith.constant 1 : i32
        %mul3A_211 = arith.muli %scan3A_209, %mul3A_210 : i32
        %add3A_212 = arith.constant 0 : i32
        %add3A_213 = arith.addi %add3A_212, %mul3A_211 : i32
        %get3A = arith.index_cast %add3A_213 : i32 to index
        %get3A_214 = arith.constant 0 : index
        %get3A_215 = tpu.vector_load %arg11[%get3A, %get3A_214] {strides = array<i32>} : memref<200x64xf32, #tpu.memory_space<vmem>>, vector<1x16xf32>,
        %get3A_216 = vector.shape_cast %get3A_215 : vector<1x16xf32> to vector<16xf32>
        %swap3A = arith.index_cast %add3A_213 : i32 to index
        %swap3A_217 = arith.constant 0 : index
        %swap3A_218 = tpu.vector_load %arg10[%swap3A, %swap3A_217] {strides = array<i32>} : memref<200x64xf32, #tpu.memory_space<vmem>>, vector<1x16xf32>,
        %swap3A_219 = vector.shape_cast %swap3A_218 : vector<1x16xf32> to vector<16xf32>
        %swap3A_220 = vector.shape_cast %get3A_216 : vector<16xf32> to vector<1x16xf32>
        tpu.vector_store %arg10[%swap3A, %swap3A_217], %swap3A_220 {add = true, strides = array<i32>} : memref<200x64xf32, #tpu.memory_space<vmem>>, vector<1x16xf32>,
        %get3A_221 = arith.index_cast %add3A_213 : i32 to index
        %get3A_222 = arith.constant 16 : index
        %get3A_223 = tpu.vector_load %arg11[%get3A_221, %get3A_222] {strides = array<i32>} : memref<200x64xf32, #tpu.memory_space<vmem>>, vector<1x16xf32>,
        %get3A_224 = vector.shape_cast %get3A_223 : vector<1x16xf32> to vector<16xf32>
        %swap3A_225 = arith.index_cast %add3A_213 : i32 to index
        %swap3A_226 = arith.constant 16 : index
        %swap3A_227 = tpu.vector_load %arg10[%swap3A_225, %swap3A_226] {strides = array<i32>} : memref<200x64xf32, #tpu.memory_space<vmem>>, vector<1x16xf32>,
        %swap3A_228 = vector.shape_cast %swap3A_227 : vector<1x16xf32> to vector<16xf32>
        %swap3A_229 = vector.shape_cast %get3A_224 : vector<16xf32> to vector<1x16xf32>
        tpu.vector_store %arg10[%swap3A_225, %swap3A_226], %swap3A_229 {add = true, strides = array<i32>} : memref<200x64xf32, #tpu.memory_space<vmem>>, vector<1x16xf32>,
        %get3A_230 = arith.index_cast %add3A_213 : i32 to index
        %get3A_231 = arith.constant 32 : index
        %get3A_232 = tpu.vector_load %arg11[%get3A_230, %get3A_231] {strides = array<i32>} : memref<200x64xf32, #tpu.memory_space<vmem>>, vector<1x16xf32>,
        %get3A_233 = vector.shape_cast %get3A_232 : vector<1x16xf32> to vector<16xf32>
        %swap3A_234 = arith.index_cast %add3A_213 : i32 to index
        %swap3A_235 = arith.constant 32 : index
        %swap3A_236 = tpu.vector_load %arg10[%swap3A_234, %swap3A_235] {strides = array<i32>} : memref<200x64xf32, #tpu.memory_space<vmem>>, vector<1x16xf32>,
        %swap3A_237 = vector.shape_cast %swap3A_236 : vector<1x16xf32> to vector<16xf32>
        %swap3A_238 = vector.shape_cast %get3A_233 : vector<16xf32> to vector<1x16xf32>
        tpu.vector_store %arg10[%swap3A_234, %swap3A_235], %swap3A_238 {add = true, strides = array<i32>} : memref<200x64xf32, #tpu.memory_space<vmem>>, vector<1x16xf32>,
        %get3A_239 = arith.index_cast %add3A_213 : i32 to index
        %get3A_240 = arith.constant 48 : index
        %get3A_241 = tpu.vector_load %arg11[%get3A_239, %get3A_240] {strides = array<i32>} : memref<200x64xf32, #tpu.memory_space<vmem>>, vector<1x16xf32>,
        %get3A_242 = vector.shape_cast %get3A_241 : vector<1x16xf32> to vector<16xf32>
        %swap3A_243 = arith.index_cast %add3A_213 : i32 to index
        %swap3A_244 = arith.constant 48 : index
        %swap3A_245 = tpu.vector_load %arg10[%swap3A_243, %swap3A_244] {strides = array<i32>} : memref<200x64xf32, #tpu.memory_space<vmem>>, vector<1x16xf32>,
        %swap3A_246 = vector.shape_cast %swap3A_245 : vector<1x16xf32> to vector<16xf32>
        %swap3A_247 = vector.shape_cast %get3A_242 : vector<16xf32> to vector<1x16xf32>
        tpu.vector_store %arg10[%swap3A_243, %swap3A_244], %swap3A_247 {add = true, strides = array<i32>} : memref<200x64xf32, #tpu.memory_space<vmem>>, vector<1x16xf32>,
        %scan3A_248 = arith.constant 1 : i32
        %scan3A_249 = arith.addi %scan3A_209, %scan3A_248 : i32
        %mul3A_250 = arith.constant 1 : i32
        %mul3A_251 = arith.muli %scan3A_249, %mul3A_250 : i32
        %add3A_252 = arith.constant 0 : i32
        %add3A_253 = arith.addi %add3A_252, %mul3A_251 : i32
        %get3A_254 = arith.index_cast %add3A_253 : i32 to index
        %get3A_255 = arith.constant 0 : index
        %get3A_256 = tpu.vector_load %arg11[%get3A_254, %get3A_255] {strides = array<i32>} : memref<200x64xf32, #tpu.memory_space<vmem>>, vector<1x16xf32>,
        %get3A_257 = vector.shape_cast %get3A_256 : vector<1x16xf32> to vector<16xf32>
        %swap3A_258 = arith.index_cast %add3A_253 : i32 to index
        %swap3A_259 = arith.constant 0 : index
        %swap3A_260 = tpu.vector_load %arg10[%swap3A_258, %swap3A_259] {strides = array<i32>} : memref<200x64xf32, #tpu.memory_space<vmem>>, vector<1x16xf32>,
        %swap3A_261 = vector.shape_cast %swap3A_260 : vector<1x16xf32> to vector<16xf32>
        %swap3A_262 = vector.shape_cast %get3A_257 : vector<16xf32> to vector<1x16xf32>
        tpu.vector_store %arg10[%swap3A_258, %swap3A_259], %swap3A_262 {add = true, strides = array<i32>} : memref<200x64xf32, #tpu.memory_space<vmem>>, vector<1x16xf32>,
        %get3A_263 = arith.index_cast %add3A_253 : i32 to index
        %get3A_264 = arith.constant 16 : index
        %get3A_265 = tpu.vector_load %arg11[%get3A_263, %get3A_264] {strides = array<i32>} : memref<200x64xf32, #tpu.memory_space<vmem>>, vector<1x16xf32>,
        %get3A_266 = vector.shape_cast %get3A_265 : vector<1x16xf32> to vector<16xf32>
        %swap3A_267 = arith.index_cast %add3A_253 : i32 to index
        %swap3A_268 = arith.constant 16 : index
        %swap3A_269 = tpu.vector_load %arg10[%swap3A_267, %swap3A_268] {strides = array<i32>} : memref<200x64xf32, #tpu.memory_space<vmem>>, vector<1x16xf32>,
        %swap3A_270 = vector.shape_cast %swap3A_269 : vector<1x16xf32> to vector<16xf32>
        %swap3A_271 = vector.shape_cast %get3A_266 : vector<16xf32> to vector<1x16xf32>
        tpu.vector_store %arg10[%swap3A_267, %swap3A_268], %swap3A_271 {add = true, strides = array<i32>} : memref<200x64xf32, #tpu.memory_space<vmem>>, vector<1x16xf32>,
        %get3A_272 = arith.index_cast %add3A_253 : i32 to index
        %get3A_273 = arith.constant 32 : index
        %get3A_274 = tpu.vector_load %arg11[%get3A_272, %get3A_273] {strides = array<i32>} : memref<200x64xf32, #tpu.memory_space<vmem>>, vector<1x16xf32>,
        %get3A_275 = vector.shape_cast %get3A_274 : vector<1x16xf32> to vector<16xf32>
        %swap3A_276 = arith.index_cast %add3A_253 : i32 to index
        %swap3A_277 = arith.constant 32 : index
        %swap3A_278 = tpu.vector_load %arg10[%swap3A_276, %swap3A_277] {strides = array<i32>} : memref<200x64xf32, #tpu.memory_space<vmem>>, vector<1x16xf32>,
        %swap3A_279 = vector.shape_cast %swap3A_278 : vector<1x16xf32> to vector<16xf32>
        %swap3A_280 = vector.shape_cast %get3A_275 : vector<16xf32> to vector<1x16xf32>
        tpu.vector_store %arg10[%swap3A_276, %swap3A_277], %swap3A_280 {add = true, strides = array<i32>} : memref<200x64xf32, #tpu.memory_space<vmem>>, vector<1x16xf32>,
        %get3A_281 = arith.index_cast %add3A_253 : i32 to index
        %get3A_282 = arith.constant 48 : index
        %get3A_283 = tpu.vector_load %arg11[%get3A_281, %get3A_282] {strides = array<i32>} : memref<200x64xf32, #tpu.memory_space<vmem>>, vector<1x16xf32>,
        %get3A_284 = vector.shape_cast %get3A_283 : vector<1x16xf32> to vector<16xf32>
        %swap3A_285 = arith.index_cast %add3A_253 : i32 to index
        %swap3A_286 = arith.constant 48 : index
        %swap3A_287 = tpu.vector_load %arg10[%swap3A_285, %swap3A_286] {strides = array<i32>} : memref<200x64xf32, #tpu.memory_space<vmem>>, vector<1x16xf32>,
        %swap3A_288 = vector.shape_cast %swap3A_287 : vector<1x16xf32> to vector<16xf32>
        %swap3A_289 = vector.shape_cast %get3A_284 : vector<16xf32> to vector<1x16xf32>
        tpu.vector_store %arg10[%swap3A_285, %swap3A_286], %swap3A_289 {add = true, strides = array<i32>} : memref<200x64xf32, #tpu.memory_space<vmem>>, vector<1x16xf32>,
        %scan3A_290 = arith.constant 2 : i32
        %scan3A_291 = arith.addi %scan3A_209, %scan3A_290 : i32
        %mul3A_292 = arith.constant 1 : i32
        %mul3A_293 = arith.muli %scan3A_291, %mul3A_292 : i32
        %add3A_294 = arith.constant 0 : i32
        %add3A_295 = arith.addi %add3A_294, %mul3A_293 : i32
        %get3A_296 = arith.index_cast %add3A_295 : i32 to index
        %get3A_297 = arith.constant 0 : index
        %get3A_298 = tpu.vector_load %arg11[%get3A_296, %get3A_297] {strides = array<i32>} : memref<200x64xf32, #tpu.memory_space<vmem>>, vector<1x16xf32>,
        %get3A_299 = vector.shape_cast %get3A_298 : vector<1x16xf32> to vector<16xf32>
        %swap3A_300 = arith.index_cast %add3A_295 : i32 to index
        %swap3A_301 = arith.constant 0 : index
        %swap3A_302 = tpu.vector_load %arg10[%swap3A_300, %swap3A_301] {strides = array<i32>} : memref<200x64xf32, #tpu.memory_space<vmem>>, vector<1x16xf32>,
        %swap3A_303 = vector.shape_cast %swap3A_302 : vector<1x16xf32> to vector<16xf32>
        %swap3A_304 = vector.shape_cast %get3A_299 : vector<16xf32> to vector<1x16xf32>
        tpu.vector_store %arg10[%swap3A_300, %swap3A_301], %swap3A_304 {add = true, strides = array<i32>} : memref<200x64xf32, #tpu.memory_space<vmem>>, vector<1x16xf32>,
        %get3A_305 = arith.index_cast %add3A_295 : i32 to index
        %get3A_306 = arith.constant 16 : index
        %get3A_307 = tpu.vector_load %arg11[%get3A_305, %get3A_306] {strides = array<i32>} : memref<200x64xf32, #tpu.memory_space<vmem>>, vector<1x16xf32>,
        %get3A_308 = vector.shape_cast %get3A_307 : vector<1x16xf32> to vector<16xf32>
        %swap3A_309 = arith.index_cast %add3A_295 : i32 to index
        %swap3A_310 = arith.constant 16 : index
        %swap3A_311 = tpu.vector_load %arg10[%swap3A_309, %swap3A_310] {strides = array<i32>} : memref<200x64xf32, #tpu.memory_space<vmem>>, vector<1x16xf32>,
        %swap3A_312 = vector.shape_cast %swap3A_311 : vector<1x16xf32> to vector<16xf32>
        %swap3A_313 = vector.shape_cast %get3A_308 : vector<16xf32> to vector<1x16xf32>
        tpu.vector_store %arg10[%swap3A_309, %swap3A_310], %swap3A_313 {add = true, strides = array<i32>} : memref<200x64xf32, #tpu.memory_space<vmem>>, vector<1x16xf32>,
        %get3A_314 = arith.index_cast %add3A_295 : i32 to index
        %get3A_315 = arith.constant 32 : index
        %get3A_316 = tpu.vector_load %arg11[%get3A_314, %get3A_315] {strides = array<i32>} : memref<200x64xf32, #tpu.memory_space<vmem>>, vector<1x16xf32>,
        %get3A_317 = vector.shape_cast %get3A_316 : vector<1x16xf32> to vector<16xf32>
        %swap3A_318 = arith.index_cast %add3A_295 : i32 to index
        %swap3A_319 = arith.constant 32 : index
        %swap3A_320 = tpu.vector_load %arg10[%swap3A_318, %swap3A_319] {strides = array<i32>} : memref<200x64xf32, #tpu.memory_space<vmem>>, vector<1x16xf32>,
        %swap3A_321 = vector.shape_cast %swap3A_320 : vector<1x16xf32> to vector<16xf32>
        %swap3A_322 = vector.shape_cast %get3A_317 : vector<16xf32> to vector<1x16xf32>
        tpu.vector_store %arg10[%swap3A_318, %swap3A_319], %swap3A_322 {add = true, strides = array<i32>} : memref<200x64xf32, #tpu.memory_space<vmem>>, vector<1x16xf32>,
        %get3A_323 = arith.index_cast %add3A_295 : i32 to index
        %get3A_324 = arith.constant 48 : index
        %get3A_325 = tpu.vector_load %arg11[%get3A_323, %get3A_324] {strides = array<i32>} : memref<200x64xf32, #tpu.memory_space<vmem>>, vector<1x16xf32>,
        %get3A_326 = vector.shape_cast %get3A_325 : vector<1x16xf32> to vector<16xf32>
        %swap3A_327 = arith.index_cast %add3A_295 : i32 to index
        %swap3A_328 = arith.constant 48 : index
        %swap3A_329 = tpu.vector_load %arg10[%swap3A_327, %swap3A_328] {strides = array<i32>} : memref<200x64xf32, #tpu.memory_space<vmem>>, vector<1x16xf32>,
        %swap3A_330 = vector.shape_cast %swap3A_329 : vector<1x16xf32> to vector<16xf32>
        %swap3A_331 = vector.shape_cast %get3A_326 : vector<16xf32> to vector<1x16xf32>
        tpu.vector_store %arg10[%swap3A_327, %swap3A_328], %swap3A_331 {add = true, strides = array<i32>} : memref<200x64xf32, #tpu.memory_space<vmem>>, vector<1x16xf32>,
        %scan3A_332 = arith.constant 3 : i32
        %scan3A_333 = arith.addi %scan3A_209, %scan3A_332 : i32
        %mul3A_334 = arith.constant 1 : i32
        %mul3A_335 = arith.muli %scan3A_333, %mul3A_334 : i32
        %add3A_336 = arith.constant 0 : i32
        %add3A_337 = arith.addi %add3A_336, %mul3A_335 : i32
        %get3A_338 = arith.index_cast %add3A_337 : i32 to index
        %get3A_339 = arith.constant 0 : index
        %get3A_340 = tpu.vector_load %arg11[%get3A_338, %get3A_339] {strides = array<i32>} : memref<200x64xf32, #tpu.memory_space<vmem>>, vector<1x16xf32>,
        %get3A_341 = vector.shape_cast %get3A_340 : vector<1x16xf32> to vector<16xf32>
        %swap3A_342 = arith.index_cast %add3A_337 : i32 to index
        %swap3A_343 = arith.constant 0 : index
        %swap3A_344 = tpu.vector_load %arg10[%swap3A_342, %swap3A_343] {strides = array<i32>} : memref<200x64xf32, #tpu.memory_space<vmem>>, vector<1x16xf32>,
        %swap3A_345 = vector.shape_cast %swap3A_344 : vector<1x16xf32> to vector<16xf32>
        %swap3A_346 = vector.shape_cast %get3A_341 : vector<16xf32> to vector<1x16xf32>
        tpu.vector_store %arg10[%swap3A_342, %swap3A_343], %swap3A_346 {add = true, strides = array<i32>} : memref<200x64xf32, #tpu.memory_space<vmem>>, vector<1x16xf32>,
        %get3A_347 = arith.index_cast %add3A_337 : i32 to index
        %get3A_348 = arith.constant 16 : index
        %get3A_349 = tpu.vector_load %arg11[%get3A_347, %get3A_348] {strides = array<i32>} : memref<200x64xf32, #tpu.memory_space<vmem>>, vector<1x16xf32>,
        %get3A_350 = vector.shape_cast %get3A_349 : vector<1x16xf32> to vector<16xf32>
        %swap3A_351 = arith.index_cast %add3A_337 : i32 to index
        %swap3A_352 = arith.constant 16 : index
        %swap3A_353 = tpu.vector_load %arg10[%swap3A_351, %swap3A_352] {strides = array<i32>} : memref<200x64xf32, #tpu.memory_space<vmem>>, vector<1x16xf32>,
        %swap3A_354 = vector.shape_cast %swap3A_353 : vector<1x16xf32> to vector<16xf32>
        %swap3A_355 = vector.shape_cast %get3A_350 : vector<16xf32> to vector<1x16xf32>
        tpu.vector_store %arg10[%swap3A_351, %swap3A_352], %swap3A_355 {add = true, strides = array<i32>} : memref<200x64xf32, #tpu.memory_space<vmem>>, vector<1x16xf32>,
        %get3A_356 = arith.index_cast %add3A_337 : i32 to index
        %get3A_357 = arith.constant 32 : index
        %get3A_358 = tpu.vector_load %arg11[%get3A_356, %get3A_357] {strides = array<i32>} : memref<200x64xf32, #tpu.memory_space<vmem>>, vector<1x16xf32>,
        %get3A_359 = vector.shape_cast %get3A_358 : vector<1x16xf32> to vector<16xf32>
        %swap3A_360 = arith.index_cast %add3A_337 : i32 to index
        %swap3A_361 = arith.constant 32 : index
        %swap3A_362 = tpu.vector_load %arg10[%swap3A_360, %swap3A_361] {strides = array<i32>} : memref<200x64xf32, #tpu.memory_space<vmem>>, vector<1x16xf32>,
        %swap3A_363 = vector.shape_cast %swap3A_362 : vector<1x16xf32> to vector<16xf32>
        %swap3A_364 = vector.shape_cast %get3A_359 : vector<16xf32> to vector<1x16xf32>
        tpu.vector_store %arg10[%swap3A_360, %swap3A_361], %swap3A_364 {add = true, strides = array<i32>} : memref<200x64xf32, #tpu.memory_space<vmem>>, vector<1x16xf32>,
        %get3A_365 = arith.index_cast %add3A_337 : i32 to index
        %get3A_366 = arith.constant 48 : index
        %get3A_367 = tpu.vector_load %arg11[%get3A_365, %get3A_366] {strides = array<i32>} : memref<200x64xf32, #tpu.memory_space<vmem>>, vector<1x16xf32>,
        %get3A_368 = vector.shape_cast %get3A_367 : vector<1x16xf32> to vector<16xf32>
        %swap3A_369 = arith.index_cast %add3A_337 : i32 to index
        %swap3A_370 = arith.constant 48 : index
        %swap3A_371 = tpu.vector_load %arg10[%swap3A_369, %swap3A_370] {strides = array<i32>} : memref<200x64xf32, #tpu.memory_space<vmem>>, vector<1x16xf32>,
        %swap3A_372 = vector.shape_cast %swap3A_371 : vector<1x16xf32> to vector<16xf32>
        %swap3A_373 = vector.shape_cast %get3A_368 : vector<16xf32> to vector<1x16xf32>
        tpu.vector_store %arg10[%swap3A_369, %swap3A_370], %swap3A_373 {add = true, strides = array<i32>} : memref<200x64xf32, #tpu.memory_space<vmem>>, vector<1x16xf32>,
      }
      %scan3A_200 = arith.constant 200 : i32
      %mul3A_201 = arith.constant 200 : i32
      %mul3A_202 = arith.muli %add3A_175, %mul3A_201 : i32
      %multiple_of3A_203 = tpu.assume_multiple %mul3A_202, 200 : i32
      %add3A_204 = arith.addi %multiple_of3A, %multiple_of3A_203 : i32
      %dma_start3A_205 = arith.constant 0 : i32
      %dma_start3A_206 = tpu.memref_slice %arg5[%add3A_204, %dma_start3A_205] : memref<204800x64xf32, #tpu.memory_space<hbm>> -> memref<200x64xf32, #tpu.memory_space<hbm>>
      %dma_start3A_207 = arith.constant 0 : i32
      %dma_start3A_208 = tpu.memref_slice %arg5[%add3A_204, %dma_start3A_207] : memref<204800x64xf32, #tpu.memory_space<hbm>> -> memref<200x64xf32, #tpu.memory_space<hbm>>
      tpu.enqueue_dma source(%arg10 : memref<200x64xf32, #tpu.memory_space<vmem>>) target(%dma_start3A_208 : memref<200x64xf32, #tpu.memory_space<hbm>>) target_semaphore(%arg19 : memref<!tpu.dma_semaphore, #tpu.memory_space<semaphore_mem>>)
    }
    %scan3A_65 = arith.constant 8 : i32
    %dma_wait3A = arith.constant 0 : i32
    %dma_wait3A_66 = tpu.memref_slice %arg5[%multiple_of3A, %dma_wait3A] : memref<204800x64xf32, #tpu.memory_space<hbm>> -> memref<200x64xf32, #tpu.memory_space<hbm>>
    %dma_wait3A_67 = arith.constant 0 : i32
    %dma_wait3A_68 = tpu.memref_slice %arg5[%multiple_of3A, %dma_wait3A_67] : memref<204800x64xf32, #tpu.memory_space<hbm>> -> memref<200x64xf32, #tpu.memory_space<hbm>>
    tpu.wait_dma2 semaphore(%arg19 : memref<!tpu.dma_semaphore, #tpu.memory_space<semaphore_mem>>) src(%arg10 : memref<200x64xf32, #tpu.memory_space<vmem>>) dst(%dma_wait3A_68 : memref<200x64xf32, #tpu.memory_space<hbm>>)
    return
  }
}

</mosaic_0001>

<sc_bundles>
// kernel: kernel.3.cloned.1.call-start
scs
__scs_entry_jumppad:
0x0: {  	(pc) =	sbr.rel $0x88, $3  }
0x1: {  	(tag) =	ssettag $0x0;
	lr =	simm.s32 $0x1  }
0x2: {  	[smem:$0x3F9F] =	sst lr;
	_ =	strace $0xD0000000  }
0x3: {  	_ = 	snop  }
0x4: {  	_ = 	snop  }
0x5: {  	_ = 	snop  }
0x6: {  	_ = 	snop  }
0x7: {  	_ = 	snop  }
__scs_overlays_trampoline_lowered:
0x8: {  	[smem:$0x3FAE] =	sst s0  }
0x9: {  	[smem:$0x3FAF] =	sst s1  }
0xa: {  	[smem:$0x3FB0] =	sst s2  }
0xb: {  	[smem:$0x3FB1] =	sst s3  }
0xc: {  	[smem:$0x3FB2] =	sst s4  }
0xd: {  	[smem:$0x3FB3] =	sst s5  }
0xe: {  	[smem:$0x3FB4] =	sst s6  }
0xf: {  	[smem:$0x3FB5] =	sst s7  }
0x10: {  	[smem:$0x3FB6] =	sst s8  }
0x11: {  	[smem:$0x3FB7] =	sst s9;
	s0 =	simm.s32 @!p0 $0x0  }
0x12: {  	s1 =	sld [smem:$0x3F9D];
	s0 =	simm.s32 @p0 $0x1  }
0x13: {  	[smem:$0x3FB8] =	sst s0;
	s0 =	simm.s32 @!p1 $0x0  }
0x14: {  	s2 =	sld [smem:$0x3F9C];
	s0 =	simm.s32 @p1 $0x1  }
0x15: {  	[smem:$0x3FB9] =	sst s0;
	s0 =	simm.s32 @!p2 $0x0  }
0x16: {  	s3 =	sld [smem:$0x3FDB];
	s0 =	simm.s32 @p2 $0x1  }
0x17: {  	s4 =	simm.s32 $0x1BF5;
	[smem:$0x3FBB] =	sst s0  }
0x18: {  	s0 =	sld [smem:$0x3F9E];
	_ =	swait.ge [sflag:s4], $0x0  }
0x19: {  	s7 =	sld [smem:$0x3F9F]  }
0x1a: {  	s8 =	sadd.s32 $0xFFFFE003, lr  }
0x1b: {  	s9 =	sadd.s32 $0xFFFFFEF7, lr;
	s5 =	simm.s32 $0xFFFFFFFF;
	p2 =	slt.u32 s8, $0xFFFFF086  }
0x1c: {  	p1 =	slt.u32 s9, $0xF7A;
	s5 =	simm.s32 @!p2 $0x0  }
0x1d: {  	s5 =	simm.s32 @p1 $0x1;
	p0 =	seq.s32 s7, s2  }
0x1e: {  	s7 =	smul.u32 @!p0 $0xF7A, s2;
	p2 =	seq.s32 @!p0 s5, $0x0  }
0x1f: {  	s9 =	smul.u32 $0xF7A, s1;
	s8 =	simm.s32 @!p0 $0x1BF5;
	p2 =	por !p2, p0  }
0x20: {  	[sflag:s8] =	ssyncset.s32 @!p0 $0xFFFFF086;
	s6 =	sadd.s32 @!p0 s3, s7;
	s7 =	simm.s32 @!p0 $0x108  }
0x21: {  	s3 =	sadd.s32 s3, s9;
	s6 =	sadd.s32 @!p0 $0x88, s6;
	s7 =	simm.s32 @p2 $0x1082  }
0x22: {  	[simem:s7], [sflag:s8] =	dma.local @!p0 [hbm:s6], $0xF7A  }
0x23: {  	s9 =	sor.u32 $0xD0000000, s2;
	s6 =	simm.s32 $0x108;
	_ =	swait.ge @!p0 [sflag:s8], $0x0  }
0x24: {  	s3 =	sadd.s32 $0x88, s3;
	s6 =	simm.s32 @!p1 $0x1082;
	[sflag:s4] =	ssyncset.s32 $0xFFFFF086  }
0x25: {  	[simem:s6], [sflag:s4] =	dma.local [hbm:s3], $0xF7A  }
0x26: {  	[smem:$0x3F9F] =	sst s1;
	(tag) =	ssettag s2;
	_ =	strace s9  }
0x27: {  	s1 =	sld [smem:$0x3FAF]  }
0x28: {  	s2 =	sld [smem:$0x3FB0]  }
0x29: {  	s4 =	sld [smem:$0x3FB2]  }
0x2a: {  	p0 =	seq.s32 s5, $0x0;
	s5 =	sld [smem:$0x3FB3]  }
0x2b: {  	s6 =	sld [smem:$0x3FB4]  }
0x2c: {  	s7 =	sld [smem:$0x3FB5]  }
0x2d: {  	s3 =	simm.s32 $0x108;
	s8 =	sld [smem:$0x3FB6]  }
0x2e: {  	s3 =	simm.s32 @!p0 $0x1082;
	s9 =	sld [smem:$0x3FB7]  }
0x2f: {  	lr =	sadd.s32 s0, s3;
	s0 =	sld [smem:$0x3FAE]  }
0x30: {  	s3 =	sld [smem:$0x3FB1]  }
0x31: {  	[smem:$0x3FBA] =	sst s10  }
0x32: {  	s10 =	sld [smem:$0x3FB8];
	_ =	sdelay $0x3  }
0x33: {  	p0 =	seq.s32 s10, $0x1;
	s10 =	sld [smem:$0x3FBA];
	_ =	sdelay $0x3  }
0x34: {  	[smem:$0x3FBA] =	sst s10  }
0x35: {  	s10 =	sld [smem:$0x3FB9];
	_ =	sdelay $0x3  }
0x36: {  	p1 =	seq.s32 s10, $0x1;
	s10 =	sld [smem:$0x3FBA];
	_ =	sdelay $0x3  }
0x37: {  	[smem:$0x3FBA] =	sst s10  }
0x38: {  	s10 =	sld [smem:$0x3FBB]  }
0x39: {  	_ = 	snop;
	(pc) =	sbr.ind lr, $3  }
0x3a: {  	_ = 	snop  }
0x3b: {  	_ = 	snop  }
0x3c: {  	p2 =	seq.s32 s10, $0x1;
	s10 =	sld [smem:$0x3FBA]  }
0x3d: {  	_ =	shalt  }
0x3e: {  	_ =	shalt  }
0x3f: {  	_ =	shalt  }
0x40: {  	_ =	shalt  }
0x41: {  	_ =	shalt  }
0x42: {  	_ =	shalt  }
0x43: {  	_ =	shalt  }
0x44: {  	_ =	shalt  }
0x45: {  	_ =	shalt  }
0x46: {  	_ =	shalt  }
0x47: {  	_ =	shalt  }
0x48: {  	_ =	shalt  }
0x49: {  	_ =	shalt  }
0x4a: {  	_ =	shalt  }
0x4b: {  	_ =	shalt  }
0x4c: {  	_ =	shalt  }
0x4d: {  	_ =	shalt  }
0x4e: {  	_ =	shalt  }
0x4f: {  	_ =	shalt  }
0x50: {  	_ =	shalt  }
0x51: {  	_ =	shalt  }
0x52: {  	_ =	shalt  }
0x53: {  	_ =	shalt  }
0x54: {  	_ =	shalt  }
0x55: {  	_ =	shalt  }
0x56: {  	_ =	shalt  }
0x57: {  	_ =	shalt  }
0x58: {  	_ =	shalt  }
0x59: {  	_ =	shalt  }
0x5a: {  	_ =	shalt  }
0x5b: {  	_ =	shalt  }
0x5c: {  	_ =	shalt  }
0x5d: {  	_ =	shalt  }
0x5e: {  	_ =	shalt  }
0x5f: {  	_ =	shalt  }
0x60: {  	_ =	shalt  }
0x61: {  	_ =	shalt  }
0x62: {  	_ =	shalt  }
0x63: {  	_ =	shalt  }
0x64: {  	_ =	shalt  }
0x65: {  	_ =	shalt  }
0x66: {  	_ =	shalt  }
0x67: {  	_ =	shalt  }
0x68: {  	_ =	shalt  }
0x69: {  	_ =	shalt  }
0x6a: {  	_ =	shalt  }
0x6b: {  	_ =	shalt  }
0x6c: {  	_ =	shalt  }
0x6d: {  	_ =	shalt  }
0x6e: {  	_ =	shalt  }
0x6f: {  	_ =	shalt  }
0x70: {  	_ =	shalt  }
0x71: {  	_ =	shalt  }
0x72: {  	_ =	shalt  }
0x73: {  	_ =	shalt  }
0x74: {  	_ =	shalt  }
0x75: {  	_ =	shalt  }
0x76: {  	_ =	shalt  }
0x77: {  	_ =	shalt  }
0x78: {  	_ =	shalt  }
0x79: {  	_ =	shalt  }
0x7a: {  	_ =	shalt  }
0x7b: {  	_ =	shalt  }
0x7c: {  	_ =	shalt  }
0x7d: {  	_ =	shalt  }
0x7e: {  	_ =	shalt  }
0x7f: {  	_ =	shalt  }
0x80: {  	_ =	shalt  }
0x81: {  	_ =	shalt  }
0x82: {  	_ =	shalt  }
0x83: {  	_ =	shalt  }
0x84: {  	_ =	shalt  }
0x85: {  	_ =	shalt  }
0x86: {  	_ =	shalt  }
0x87: {  	_ =	shalt  }
.Lfunc_end0:
.L_simem_size_0:
called_computation.1_lowered:
.L_overlay_start_0:
0x88: {  	s2 =	sld [smem:$0x3FD9]  }
0x89: {  	s3 =	sld [smem:$0x3FFE];
	_ =	sdelay $0x1  }
0x8a: {  	s1 =	srdreg.scid  }
0x8b: {  	s0 =	sand.u32 $0x1, s1  }
0x8c: {  	s17 =	sshll.u32 s0, $0xA;
	s2 =	sadd.s32 s3, s2  }
0x8d: {  	s2 =	sadd.s32 s2, s17  }
0x8e: {  	[smem:$0x3FC6] =	sst s2  }
0x8f: {  	_ = 	snop  }
0x90: {  	s2 =	sld [smem:$0x3FD0];
	(tm) =	ssettm $0x1  }
0x91: {  	s18 =	sld [smem:$0x3FFB];
	_ =	sdelay $0x3  }
0x92: {  	_ =	strace s18  }
0x93: {  	s3 =	sld [smem:$0x3FFC];
	_ =	sdelay $0x3  }
0x94: {  	_ =	strace s3  }
0x95: {  	s3 =	sld [smem:$0x3FFD];
	_ =	sdelay $0x3  }
0x96: {  	_ =	strace s3  }
0x97: {  	_ =	strace $0x8FFFFFFF  }
0x98: {  	s19 =	sld [smem:$0x3FDB];
	_ =	sdelay $0x1  }
0x99: {  	s4 =	simm.s32 $_scs_section_size  }
0x9a: {  	s5 =	simm.s32 $_size__tile_overlayer_lowered;
	s6 =	simm.s32 $_tile_overlayer_lowered  }
0x9b: {  	s22 =	simm.s32 $0x1BFF;
	s21 =	sshll.u32 s6, $0x1;
	s3 =	sadd.s32 s4, s19  }
0x9c: {  	s7 =	simm.s32 $0x0;
	s20 =	sshll.u32 s5, $0x1;
	s5 =	sadd.s32 s21, s3  }
0x9d: {  	[timem:s7], [sflag:s22] =	dma.local [hbm:s5], s20  }
0x9e: {  	_ =	swait.ge [sflag:s22], s20  }
0x9f: {  	s4 =	ssub.s32 $0x0, s20;
	[sflag:s22] =	ssyncset.done $0x0  }
0xa0: {  	[sflag:s22] =	ssyncadd.s32 s4;
	_ =	sdelay $0x1  }
0xa1: {  	s23 =	simm.s32 $0x1B8B  }
0xa2: {  	_ =	swait.ge [sflag:s23], $0x1  }
0xa3: {  	[sflag:s23] =	ssyncset.done $0x0  }
0xa4: {  	s25 =	simm.s32 $0x1B8E;
	s24 =	sld [smem:$0x3FFE];
	[sflag:s23] =	ssyncadd.s32 $0xFFFFFFFF  }
0xa5: {  	s26 =	simm.s32 $execute0_lowered;
	[smem:$0x3FD2] =	sst s25  }
0xa6: {  	s5 =	sshll.u32 s26, $0x1;
	_ =	strace $0x80000046;
	[dreg:$0x1] =	wrdreg $0xFFFFFFFF  }
0xa7: {  	s28 =	simm.s32 $_size_execute0_lowered;
	s3 =	sadd.s32 s3, s5;
	[dreg:$0x0] =	wrdreg $0x0  }
0xa8: {  	s5 =	sshll.u32 s28, $0x1;
	[dreg:$0x2] =	wrdreg s3  }
0xa9: {  	[dreg:$0x3] =	wrdreg s5  }
0xaa: {  	[dreg:$0x4] =	wrdreg $0xC0  }
0xab: {  	_ =	task [dreg:s7], $0x5FFFF  }
0xac: {  	[dreg:$0x1] =	wrdreg $0xFFFFFFFF  }
0xad: {  	[dreg:$0x0] =	wrdreg $0x60  }
0xae: {  	[dreg:$0x2] =	wrdreg s24  }
0xaf: {  	[dreg:$0x3] =	wrdreg s2  }
0xb0: {  	[dreg:$0x4] =	wrdreg $0x9  }
0xb1: {  	_ =	task.clear_ibuf [dreg:s7], $0x5FFFF;
	_ =	strace $0x90000046  }
0xb2: {  	s29 =	simm.s32 $0x9;
	_ =	strace $0x80000048  }
0xb3: {  	_ =	swait.ge [sflag:s29], $0x1  }
0xb4: {  	[sflag:s29] =	ssyncadd.s32 $0xFFFFFFFF  }
0xb5: {  	_ =	strace $0x90000048  }
0xb6: {  	_ =	sfence  }
0xb7: {  	s30 =	sld [smem:$0x0];
	_ =	sdelay $0x2  }
0xb8: {  	s31 =	sshll.u32 s1, $0xD;
	s1 =	sshrl.u32 s1, $0x2  }
0xb9: {  	s3 =	sand.u32 $0x4000, s31;
	s1 =	sadd.s32 s1, s30  }
0xba: {  	s0 =	sor.u32 s3, s0;
	s1 =	sshll.u32 s1, $0x11  }
0xbb: {  	s0 =	sor.u32 s1, s0  }
0xbc: {  	s0 =	sadd.s32 $0x8F2B, s0  }
0xbd: {  	[sflag:s0] =	ssyncadd.remote.s32 $0x1  }
0xbe: {  	_ =	sfence.sel $0xFFFF  }
0xbf: {  	[dreg:$0x0] =	wrdreg $0xFFFFFFFF;
	(pc) =	sbr.abs _section_cstart, $3  }
0xc0: {  	[dreg:$0x1] =	wrdreg $0xFFFFFFFF  }
0xc1: {  	_ =	task.clear_ibuf [dreg:s7], $0x2FFFF;
	_ =	strace $0x9FFFFFFF  }
0xc2: {  	(tm) =	ssettm $0x7FFFFFFF  }
0xc3: {  	_ =	shalt  }
tec
execute0_lowered:
.L_overlay_start_1:
0x0: {  	(tag) =	ssettag $0x1  }
0x1: {  	s0 =	srdreg.scid  }
0x2: {  	s2 =	stileid.u32;
	s1 =	rddreg [dreg:$0x0];
	s11 =	simm.s32 $0x9  }
0x3: {  	s13 =	simm.s32 $0x80;
	s14 =	simm.s32 $0x1900;
	s15 =	simm.s32 $0x48  }
0x4: {  	s18 =	simm.s32 $0x4B00;
	s22 =	simm.s32 $0x7D00;
	s25 =	simm.s32 $0xAF00  }
0x5: {  	s26 =	simm.s32 $0xCF00;
	s28 =	simm.s32 $0x1;
	s29 =	simm.s32 $0x5  }
0x6: {  	s30 =	simm.s32 $0x2;
	s31 =	simm.s32 $0x6;
	s12 =	simm.s32 $0x4  }
0x7: {  	s16 =	simm.s32 $0x8;
	s0 =	sand.u32 $0x1, s0;
	s3 =	sshll.u32 s2, $0x1  }
0x8: {  	s17 =	simm.s32 $0x0;
	s2 =	rddreg [dreg:$0x1];
	s4 =	sor.u32 s0, s3  }
0x9: {  	s3 =	simm.s32 $0x0;
	s0 =	ssub.s32 $0x2, s0;
	s4 =	smul.u32 $0x1900, s4  }
0xa: {  	s5 =	sadd.s32 $0x7400, s1;
	[smem:$0x7FF] =	sst s3;
	s7 =	sshrl.u32 s0, $0x1  }
0xb: {  	_ =	strace $0x80000047;
	s0 =	ssub.s32 s0, s7;
	s6 =	sshrl.u32 s4, $0x3  }
0xc: {  	s8 =	smax.u32 s0, $0x1;
	s9 =	sor.u32 $0xC8, s4;
	s10 =	sadd.s32 $0x190, s4  }
0xd: {  	s0 =	simm.s32 $0x7;
	s6 =	sadd.s32 s6, s1;
	s1 =	sadd.s32 $0x800, s1  }
0xe: {  	[dreg:$0x3] =	wrdreg s1;
	s7 =	sadd.s32 $0x1000, s6;
	s1 =	simm.s32 $0x3  }
.LBB2_1:
0xf: {  	[tilespmem:s3], [sflag:$0x9] =	stream.linear.gather [hbm4b:s7+s3], $0x1900, $0x38;
	[tilespmem:$0x11300] =	vst v63  }
0x10: {  	_ =	swait.ge [sflag:s11], $0x1900  }
0x11: {  	[sflag:s11] =	ssyncset.done $0x0  }
0x12: {  	s19 =	simm.s32 $0xE100;
	s6 =	rddreg [dreg:$0x3];
	[sflag:s11] =	ssyncadd.s32 $0xFFFFE700  }
0x13: {  	[tilespmem:s19], [sflag:$0x9] =	stream.linear.gather [hbm4b:s6+s3], $0x3200, $0x38;
	[tilespmem:$0x11300] =	vst v63  }
0x14: {  	_ =	swait.ge [sflag:s11], $0x3200  }
0x15: {  	[sflag:s11] =	ssyncset.done $0x0  }
0x16: {  	[sflag:s11] =	ssyncadd.s32 $0xFFFFCE00  }
0x17: {  	[tilespmem:s14], [sflag:$0x1] =	stream.indirect.gather [hbm4b:s5+s13], $0x40, s3, s13, $0xb8;
	[tilespmem:$0x11300] =	vst v63  }
0x18: {  	s23 =	simm.s32 $0x3900  }
0x19: {  	[tilespmem:s23], [sflag:$0x1] =	stream.indirect.gather [hbm4b:s5+s15], $0x40, s13, s15, $0xb8;
	[tilespmem:$0x11300] =	vst v63  }
0x1a: {  	s24 =	simm.s32 $0xC8  }
0x1b: {  	[tilespmem:s18], [sflag:$0x2] =	stream.indirect.gather [hbm4b:s5+s13], $0x40, s24, s13, $0xb8;
	[tilespmem:$0x11300] =	vst v63  }
0x1c: {  	s20 =	simm.s32 $0x6B00;
	s19 =	simm.s32 $0x148  }
0x1d: {  	[tilespmem:s20], [sflag:$0x2] =	stream.indirect.gather [hbm4b:s5+s15], $0x40, s19, s15, $0xb8;
	[tilespmem:$0x11300] =	vst v63  }
0x1e: {  	s21 =	simm.s32 $0x190  }
0x1f: {  	[tilespmem:s22], [sflag:$0x3] =	stream.indirect.gather [hbm4b:s5+s13], $0x40, s21, s13, $0xb8;
	[tilespmem:$0x11300] =	vst v63  }
0x20: {  	s23 =	simm.s32 $0x210;
	s24 =	simm.s32 $0x9D00;
	s19 =	simm.s32 $0x0  }
0x21: {  	[tilespmem:s24], [sflag:$0x3] =	stream.indirect.gather [hbm4b:s5+s15], $0x40, s23, s15, $0xb8;
	[tilespmem:$0x11300] =	vst v63  }
.LBB2_2:
0x22: {  	p0 =	seq.s32 s19, $0x0  }
0x23: {  	s6 =	simm.s32 @!p0 $0x8  }
0x24: {  	s21 =	smul.u32 $0x320, s19;
	_ =	swait.ge @!p0 [sflag:s6], $0x3200  }
0x25: {  	[sflag:s6] =	ssyncset.done @!p0 $0x0  }
0x26: {  	s20 =	sadd.s32 $0x258, s21;
	[sflag:s6] =	ssyncadd.s32 @!p0 $0xFFFFCE00  }
0x27: {  	[tilespmem:s25], [sflag:$0x4] =	stream.indirect.gather [hbm4b:s5+s13], $0x40, s20, s13, $0xb8;
	[tilespmem:$0x11300] =	vst v63  }
0x28: {  	s24 =	sadd.s32 $0x2D8, s21  }
0x29: {  	[tilespmem:s26], [sflag:$0x4] =	stream.indirect.gather [hbm4b:s5+s15], $0x40, s24, s15, $0xb8;
	[tilespmem:$0x11300] =	vst v63  }
0x2a: {  	_ =	swait.ge [sflag:s28], $0x3200  }
0x2b: {  	[sflag:s28] =	ssyncset.done $0x0  }
0x2c: {  	s23 =	simm.s32 $0x0;
	[sflag:s28] =	ssyncadd.s32 $0xFFFFCE00  }
0x2d: {  	v0 =	vld [tilespmem:s23+$0xE1F0]  }
0x2e: {  	v1 =	vld [tilespmem:s23+$0xE100]  }
0x2f: {  	v2 =	vld [tilespmem:s23+$0xE110]  }
0x30: {  	v3 =	vld [tilespmem:s23+$0xE120]  }
0x31: {  	v4 =	vld [tilespmem:s23+$0xE130]  }
0x32: {  	v5 =	vld [tilespmem:s23+$0xE140]  }
0x33: {  	v6 =	vld [tilespmem:s23+$0xE150]  }
0x34: {  	v7 =	vld [tilespmem:s23+$0xE160]  }
0x35: {  	v8 =	vld [tilespmem:s23+$0xE170]  }
0x36: {  	v9 =	vld [tilespmem:s23+$0xE180]  }
0x37: {  	v10 =	vld [tilespmem:s23+$0xE190]  }
0x38: {  	v11 =	vld [tilespmem:s23+$0xE1A0]  }
0x39: {  	v12 =	vld [tilespmem:s23+$0xE1B0]  }
0x3a: {  	v13 =	vld [tilespmem:s23+$0xE1C0]  }
0x3b: {  	v14 =	vld [tilespmem:s23+$0xE1D0]  }
0x3c: {  	[tilespmem:s23+$0x19F0] =	vst.add.f32.msk $0xffff, v0  }
0x3d: {  	v0 =	vld [tilespmem:s23+$0xE1E0]  }
0x3e: {  	[tilespmem:s23+$0x1900] =	vst.add.f32.msk $0xffff, v1  }
0x3f: {  	[tilespmem:s23+$0x1910] =	vst.add.f32.msk $0xffff, v2  }
0x40: {  	[tilespmem:s23+$0x1920] =	vst.add.f32.msk $0xffff, v3  }
0x41: {  	[tilespmem:s23+$0x1930] =	vst.add.f32.msk $0xffff, v4  }
0x42: {  	[tilespmem:s23+$0x1940] =	vst.add.f32.msk $0xffff, v5  }
0x43: {  	[tilespmem:s23+$0x1950] =	vst.add.f32.msk $0xffff, v6  }
0x44: {  	[tilespmem:s23+$0x1960] =	vst.add.f32.msk $0xffff, v7  }
0x45: {  	[tilespmem:s23+$0x1970] =	vst.add.f32.msk $0xffff, v8  }
0x46: {  	[tilespmem:s23+$0x1980] =	vst.add.f32.msk $0xffff, v9  }
0x47: {  	[tilespmem:s23+$0x1990] =	vst.add.f32.msk $0xffff, v10  }
0x48: {  	[tilespmem:s23+$0x19A0] =	vst.add.f32.msk $0xffff, v11  }
0x49: {  	[tilespmem:s23+$0x19B0] =	vst.add.f32.msk $0xffff, v12  }
0x4a: {  	[tilespmem:s23+$0x19C0] =	vst.add.f32.msk $0xffff, v13  }
0x4b: {  	s6 =	simm.s32 $0x400;
	s24 =	simm.s32 $0x0;
	[tilespmem:s23+$0x19D0] =	vst.add.f32.msk $0xffff, v14  }
.LBB2_3:
0x4c: {  	s24 =	sadd.s32 $0x4, s24;
	[tilespmem:s23+$0x19E0] =	vst.add.f32.msk $0xffff, v0;
	s23 =	sshra.s32 s6, $0x2  }
0x4d: {  	v0 =	vld [tilespmem:s23+$0xE1F0];
	p0 =	slt.u32 s24, $0xC4  }
0x4e: {  	v1 =	vld [tilespmem:s23+$0xE100]  }
0x4f: {  	v2 =	vld [tilespmem:s23+$0xE110]  }
0x50: {  	v3 =	vld [tilespmem:s23+$0xE120]  }
0x51: {  	v4 =	vld [tilespmem:s23+$0xE130]  }
0x52: {  	[tilespmem:s23+$0x19F0] =	vst.add.f32.msk $0xffff, v0  }
0x53: {  	v5 =	vld [tilespmem:s23+$0xE140]  }
0x54: {  	v6 =	vld [tilespmem:s23+$0xE150]  }
0x55: {  	v7 =	vld [tilespmem:s23+$0xE160]  }
0x56: {  	v8 =	vld [tilespmem:s23+$0xE170]  }
0x57: {  	v9 =	vld [tilespmem:s23+$0xE180]  }
0x58: {  	v10 =	vld [tilespmem:s23+$0xE190]  }
0x59: {  	v11 =	vld [tilespmem:s23+$0xE1A0]  }
0x5a: {  	v12 =	vld [tilespmem:s23+$0xE1B0]  }
0x5b: {  	v13 =	vld [tilespmem:s23+$0xE1C0]  }
0x5c: {  	v14 =	vld [tilespmem:s23+$0xE1D0]  }
0x5d: {  	v0 =	vld [tilespmem:s23+$0xE1E0]  }
0x5e: {  	[tilespmem:s23+$0x1900] =	vst.add.f32.msk $0xffff, v1  }
0x5f: {  	[tilespmem:s23+$0x1910] =	vst.add.f32.msk $0xffff, v2  }
0x60: {  	[tilespmem:s23+$0x1920] =	vst.add.f32.msk $0xffff, v3  }
0x61: {  	[tilespmem:s23+$0x1930] =	vst.add.f32.msk $0xffff, v4  }
0x62: {  	[tilespmem:s23+$0x1940] =	vst.add.f32.msk $0xffff, v5  }
0x63: {  	[tilespmem:s23+$0x1950] =	vst.add.f32.msk $0xffff, v6  }
0x64: {  	[tilespmem:s23+$0x1960] =	vst.add.f32.msk $0xffff, v7  }
0x65: {  	[tilespmem:s23+$0x1970] =	vst.add.f32.msk $0xffff, v8  }
0x66: {  	[tilespmem:s23+$0x1980] =	vst.add.f32.msk $0xffff, v9  }
.Ltmp0:
0x67: {  	[tilespmem:s23+$0x1990] =	vst.add.f32.msk $0xffff, v10;
	(pc) =	sbr.rel @p0 .LBB2_3-.Ltmp0, $4  }
0x68: {  	[tilespmem:s23+$0x19A0] =	vst.add.f32.msk $0xffff, v11  }
0x69: {  	[tilespmem:s23+$0x19B0] =	vst.add.f32.msk $0xffff, v12  }
0x6a: {  	[tilespmem:s23+$0x19C0] =	vst.add.f32.msk $0xffff, v13  }
0x6b: {  	s6 =	sadd.s32 $0x400, s6;
	[tilespmem:s23+$0x19D0] =	vst.add.f32.msk $0xffff, v14  }
0x6c: {  	s6 =	sadd.s32 s4, s21  }
0x6d: {  	s6 =	sshll.u32 s6, $0x3  }
0x6e: {  	[tilespmem:s23+$0x19E0] =	vst.add.f32.msk $0xffff, v0;
	s6 =	sadd.s32 s2, s6  }
0x6f: {  	[hbm4b:s6+s3] =	stream.linear.scatter [tilespmem:s14], [sflag:$0x5], $0x3200, $0x38;
	[tilespmem:$0x11300] =	vst v63  }
0x70: {  	p0 =	seq.s32 s19, $0x7;
	_ =	swait.ge [sflag:s29], $0x3200  }
0x71: {  	s23 =	simm.s32 @!p0 $0x80;
	[sflag:s29] =	ssyncset.done $0x0  }
0x72: {  	s24 =	simm.s32 @!p0 $0x1900;
	s6 =	sadd.s32 @!p0 $0x320, s21;
	[sflag:s29] =	ssyncadd.s32 $0xFFFFCE00  }
0x73: {  	[tilespmem:s24], [sflag:$0x1] =	stream.indirect.gather @!p0 [hbm4b:s5+s23], $0x40, s6, s23, $0xb8;
	[tilespmem:$0x11300] =	vst v63  }
0x74: {  	s6 =	sadd.s32 @!p0 $0x3A0, s21;
	s23 =	simm.s32 @!p0 $0x48;
	s24 =	simm.s32 @!p0 $0x3900  }
0x75: {  	[tilespmem:s24], [sflag:$0x1] =	stream.indirect.gather @!p0 [hbm4b:s5+s23], $0x40, s6, s23, $0xb8;
	[tilespmem:$0x11300] =	vst v63  }
0x76: {  	_ =	swait.ge [sflag:s30], $0x3200  }
0x77: {  	[sflag:s30] =	ssyncset.done $0x0  }
0x78: {  	s23 =	simm.s32 $0x0;
	[sflag:s30] =	ssyncadd.s32 $0xFFFFCE00  }
0x79: {  	v0 =	vld [tilespmem:s23+$0xE1F0]  }
0x7a: {  	v1 =	vld [tilespmem:s23+$0xE100]  }
0x7b: {  	v2 =	vld [tilespmem:s23+$0xE110]  }
0x7c: {  	v3 =	vld [tilespmem:s23+$0xE120]  }
0x7d: {  	v4 =	vld [tilespmem:s23+$0xE130]  }
0x7e: {  	v5 =	vld [tilespmem:s23+$0xE140]  }
0x7f: {  	v6 =	vld [tilespmem:s23+$0xE150]  }
0x80: {  	v7 =	vld [tilespmem:s23+$0xE160]  }
0x81: {  	v8 =	vld [tilespmem:s23+$0xE170]  }
0x82: {  	v9 =	vld [tilespmem:s23+$0xE180]  }
0x83: {  	v10 =	vld [tilespmem:s23+$0xE190]  }
0x84: {  	v11 =	vld [tilespmem:s23+$0xE1A0]  }
0x85: {  	v12 =	vld [tilespmem:s23+$0xE1B0]  }
0x86: {  	v13 =	vld [tilespmem:s23+$0xE1C0]  }
0x87: {  	v14 =	vld [tilespmem:s23+$0xE1D0]  }
0x88: {  	[tilespmem:s23+$0x4BF0] =	vst.add.f32.msk $0xffff, v0  }
0x89: {  	v0 =	vld [tilespmem:s23+$0xE1E0]  }
0x8a: {  	[tilespmem:s23+$0x4B00] =	vst.add.f32.msk $0xffff, v1  }
0x8b: {  	[tilespmem:s23+$0x4B10] =	vst.add.f32.msk $0xffff, v2  }
0x8c: {  	[tilespmem:s23+$0x4B20] =	vst.add.f32.msk $0xffff, v3  }
0x8d: {  	[tilespmem:s23+$0x4B30] =	vst.add.f32.msk $0xffff, v4  }
0x8e: {  	[tilespmem:s23+$0x4B40] =	vst.add.f32.msk $0xffff, v5  }
0x8f: {  	[tilespmem:s23+$0x4B50] =	vst.add.f32.msk $0xffff, v6  }
0x90: {  	[tilespmem:s23+$0x4B60] =	vst.add.f32.msk $0xffff, v7  }
0x91: {  	[tilespmem:s23+$0x4B70] =	vst.add.f32.msk $0xffff, v8  }
0x92: {  	[tilespmem:s23+$0x4B80] =	vst.add.f32.msk $0xffff, v9  }
0x93: {  	[tilespmem:s23+$0x4B90] =	vst.add.f32.msk $0xffff, v10  }
0x94: {  	[tilespmem:s23+$0x4BA0] =	vst.add.f32.msk $0xffff, v11  }
0x95: {  	[tilespmem:s23+$0x4BB0] =	vst.add.f32.msk $0xffff, v12  }
0x96: {  	[tilespmem:s23+$0x4BC0] =	vst.add.f32.msk $0xffff, v13  }
0x97: {  	s24 =	simm.s32 $0x0;
	s6 =	simm.s32 $0x400;
	[tilespmem:s23+$0x4BD0] =	vst.add.f32.msk $0xffff, v14  }
.LBB2_5:
0x98: {  	s24 =	sadd.s32 $0x4, s24;
	[tilespmem:s23+$0x4BE0] =	vst.add.f32.msk $0xffff, v0;
	s23 =	sshra.s32 s6, $0x2  }
0x99: {  	v0 =	vld [tilespmem:s23+$0xE1F0];
	p1 =	slt.u32 s24, $0xC4  }
0x9a: {  	v1 =	vld [tilespmem:s23+$0xE100]  }
0x9b: {  	v2 =	vld [tilespmem:s23+$0xE110]  }
0x9c: {  	v3 =	vld [tilespmem:s23+$0xE120]  }
0x9d: {  	v4 =	vld [tilespmem:s23+$0xE130]  }
0x9e: {  	[tilespmem:s23+$0x4BF0] =	vst.add.f32.msk $0xffff, v0  }
0x9f: {  	v5 =	vld [tilespmem:s23+$0xE140]  }
0xa0: {  	v6 =	vld [tilespmem:s23+$0xE150]  }
0xa1: {  	v7 =	vld [tilespmem:s23+$0xE160]  }
0xa2: {  	v8 =	vld [tilespmem:s23+$0xE170]  }
0xa3: {  	v9 =	vld [tilespmem:s23+$0xE180]  }
0xa4: {  	v10 =	vld [tilespmem:s23+$0xE190]  }
0xa5: {  	v11 =	vld [tilespmem:s23+$0xE1A0]  }
0xa6: {  	v12 =	vld [tilespmem:s23+$0xE1B0]  }
0xa7: {  	v13 =	vld [tilespmem:s23+$0xE1C0]  }
0xa8: {  	v14 =	vld [tilespmem:s23+$0xE1D0]  }
0xa9: {  	v0 =	vld [tilespmem:s23+$0xE1E0]  }
0xaa: {  	[tilespmem:s23+$0x4B00] =	vst.add.f32.msk $0xffff, v1  }
0xab: {  	[tilespmem:s23+$0x4B10] =	vst.add.f32.msk $0xffff, v2  }
0xac: {  	[tilespmem:s23+$0x4B20] =	vst.add.f32.msk $0xffff, v3  }
0xad: {  	[tilespmem:s23+$0x4B30] =	vst.add.f32.msk $0xffff, v4  }
0xae: {  	[tilespmem:s23+$0x4B40] =	vst.add.f32.msk $0xffff, v5  }
0xaf: {  	[tilespmem:s23+$0x4B50] =	vst.add.f32.msk $0xffff, v6  }
0xb0: {  	[tilespmem:s23+$0x4B60] =	vst.add.f32.msk $0xffff, v7  }
0xb1: {  	[tilespmem:s23+$0x4B70] =	vst.add.f32.msk $0xffff, v8  }
0xb2: {  	[tilespmem:s23+$0x4B80] =	vst.add.f32.msk $0xffff, v9  }
.Ltmp1:
0xb3: {  	[tilespmem:s23+$0x4B90] =	vst.add.f32.msk $0xffff, v10;
	(pc) =	sbr.rel @p1 .LBB2_5-.Ltmp1, $4  }
0xb4: {  	[tilespmem:s23+$0x4BA0] =	vst.add.f32.msk $0xffff, v11  }
0xb5: {  	[tilespmem:s23+$0x4BB0] =	vst.add.f32.msk $0xffff, v12  }
0xb6: {  	[tilespmem:s23+$0x4BC0] =	vst.add.f32.msk $0xffff, v13  }
0xb7: {  	s6 =	sadd.s32 $0x400, s6;
	[tilespmem:s23+$0x4BD0] =	vst.add.f32.msk $0xffff, v14  }
0xb8: {  	s6 =	sadd.s32 s9, s21  }
0xb9: {  	s6 =	sshll.u32 s6, $0x3  }
0xba: {  	s6 =	sand.u32 $0x1FFFFF40, s6  }
0xbb: {  	[tilespmem:s23+$0x4BE0] =	vst.add.f32.msk $0xffff, v0;
	s6 =	sadd.s32 s2, s6  }
0xbc: {  	[hbm4b:s6+s3] =	stream.linear.scatter [tilespmem:s18], [sflag:$0x6], $0x3200, $0x38;
	[tilespmem:$0x11300] =	vst v63  }
0xbd: {  	_ =	swait.ge [sflag:s31], $0x3200  }
0xbe: {  	s23 =	simm.s32 @!p0 $0x80;
	[sflag:s31] =	ssyncset.done $0x0  }
0xbf: {  	s24 =	simm.s32 @!p0 $0x4B00;
	s6 =	sadd.s32 @!p0 $0x3E8, s21;
	[sflag:s31] =	ssyncadd.s32 $0xFFFFCE00  }
0xc0: {  	[tilespmem:s24], [sflag:$0x2] =	stream.indirect.gather @!p0 [hbm4b:s5+s23], $0x40, s6, s23, $0xb8;
	[tilespmem:$0x11300] =	vst v63  }
0xc1: {  	s6 =	sadd.s32 @!p0 $0x468, s21;
	s23 =	simm.s32 @!p0 $0x48;
	s24 =	simm.s32 @!p0 $0x6B00  }
0xc2: {  	[tilespmem:s24], [sflag:$0x2] =	stream.indirect.gather @!p0 [hbm4b:s5+s23], $0x40, s6, s23, $0xb8;
	[tilespmem:$0x11300] =	vst v63  }
0xc3: {  	_ =	swait.ge [sflag:s1], $0x3200  }
0xc4: {  	[sflag:s1] =	ssyncset.done $0x0  }
0xc5: {  	s23 =	simm.s32 $0x0;
	[sflag:s1] =	ssyncadd.s32 $0xFFFFCE00  }
0xc6: {  	v0 =	vld [tilespmem:s23+$0xE1F0]  }
0xc7: {  	v1 =	vld [tilespmem:s23+$0xE100]  }
0xc8: {  	v2 =	vld [tilespmem:s23+$0xE110]  }
0xc9: {  	v3 =	vld [tilespmem:s23+$0xE120]  }
0xca: {  	v4 =	vld [tilespmem:s23+$0xE130]  }
0xcb: {  	v5 =	vld [tilespmem:s23+$0xE140]  }
0xcc: {  	v6 =	vld [tilespmem:s23+$0xE150]  }
0xcd: {  	v7 =	vld [tilespmem:s23+$0xE160]  }
0xce: {  	v8 =	vld [tilespmem:s23+$0xE170]  }
0xcf: {  	v9 =	vld [tilespmem:s23+$0xE180]  }
0xd0: {  	v10 =	vld [tilespmem:s23+$0xE190]  }
0xd1: {  	v11 =	vld [tilespmem:s23+$0xE1A0]  }
0xd2: {  	v12 =	vld [tilespmem:s23+$0xE1B0]  }
0xd3: {  	v13 =	vld [tilespmem:s23+$0xE1C0]  }
0xd4: {  	v14 =	vld [tilespmem:s23+$0xE1D0]  }
0xd5: {  	[tilespmem:s23+$0x7DF0] =	vst.add.f32.msk $0xffff, v0  }
0xd6: {  	v0 =	vld [tilespmem:s23+$0xE1E0]  }
0xd7: {  	[tilespmem:s23+$0x7D00] =	vst.add.f32.msk $0xffff, v1  }
0xd8: {  	[tilespmem:s23+$0x7D10] =	vst.add.f32.msk $0xffff, v2  }
0xd9: {  	[tilespmem:s23+$0x7D20] =	vst.add.f32.msk $0xffff, v3  }
0xda: {  	[tilespmem:s23+$0x7D30] =	vst.add.f32.msk $0xffff, v4  }
0xdb: {  	[tilespmem:s23+$0x7D40] =	vst.add.f32.msk $0xffff, v5  }
0xdc: {  	[tilespmem:s23+$0x7D50] =	vst.add.f32.msk $0xffff, v6  }
0xdd: {  	[tilespmem:s23+$0x7D60] =	vst.add.f32.msk $0xffff, v7  }
0xde: {  	[tilespmem:s23+$0x7D70] =	vst.add.f32.msk $0xffff, v8  }
0xdf: {  	[tilespmem:s23+$0x7D80] =	vst.add.f32.msk $0xffff, v9  }
0xe0: {  	[tilespmem:s23+$0x7D90] =	vst.add.f32.msk $0xffff, v10  }
0xe1: {  	[tilespmem:s23+$0x7DA0] =	vst.add.f32.msk $0xffff, v11  }
0xe2: {  	[tilespmem:s23+$0x7DB0] =	vst.add.f32.msk $0xffff, v12  }
0xe3: {  	[tilespmem:s23+$0x7DC0] =	vst.add.f32.msk $0xffff, v13  }
0xe4: {  	s24 =	simm.s32 $0x0;
	s6 =	simm.s32 $0x400;
	[tilespmem:s23+$0x7DD0] =	vst.add.f32.msk $0xffff, v14  }
.LBB2_7:
0xe5: {  	s24 =	sadd.s32 $0x4, s24;
	[tilespmem:s23+$0x7DE0] =	vst.add.f32.msk $0xffff, v0;
	s23 =	sshra.s32 s6, $0x2  }
0xe6: {  	v0 =	vld [tilespmem:s23+$0xE1F0];
	p1 =	slt.u32 s24, $0xC4  }
0xe7: {  	v1 =	vld [tilespmem:s23+$0xE100]  }
0xe8: {  	v2 =	vld [tilespmem:s23+$0xE110]  }
0xe9: {  	v3 =	vld [tilespmem:s23+$0xE120]  }
0xea: {  	v4 =	vld [tilespmem:s23+$0xE130]  }
0xeb: {  	[tilespmem:s23+$0x7DF0] =	vst.add.f32.msk $0xffff, v0  }
0xec: {  	v5 =	vld [tilespmem:s23+$0xE140]  }
0xed: {  	v6 =	vld [tilespmem:s23+$0xE150]  }
0xee: {  	v7 =	vld [tilespmem:s23+$0xE160]  }
0xef: {  	v8 =	vld [tilespmem:s23+$0xE170]  }
0xf0: {  	v9 =	vld [tilespmem:s23+$0xE180]  }
0xf1: {  	v10 =	vld [tilespmem:s23+$0xE190]  }
0xf2: {  	v11 =	vld [tilespmem:s23+$0xE1A0]  }
0xf3: {  	v12 =	vld [tilespmem:s23+$0xE1B0]  }
0xf4: {  	v13 =	vld [tilespmem:s23+$0xE1C0]  }
0xf5: {  	v14 =	vld [tilespmem:s23+$0xE1D0]  }
0xf6: {  	v0 =	vld [tilespmem:s23+$0xE1E0]  }
0xf7: {  	[tilespmem:s23+$0x7D00] =	vst.add.f32.msk $0xffff, v1  }
0xf8: {  	[tilespmem:s23+$0x7D10] =	vst.add.f32.msk $0xffff, v2  }
0xf9: {  	[tilespmem:s23+$0x7D20] =	vst.add.f32.msk $0xffff, v3  }
0xfa: {  	[tilespmem:s23+$0x7D30] =	vst.add.f32.msk $0xffff, v4  }
0xfb: {  	[tilespmem:s23+$0x7D40] =	vst.add.f32.msk $0xffff, v5  }
0xfc: {  	[tilespmem:s23+$0x7D50] =	vst.add.f32.msk $0xffff, v6  }
0xfd: {  	[tilespmem:s23+$0x7D60] =	vst.add.f32.msk $0xffff, v7  }
0xfe: {  	[tilespmem:s23+$0x7D70] =	vst.add.f32.msk $0xffff, v8  }
0xff: {  	[tilespmem:s23+$0x7D80] =	vst.add.f32.msk $0xffff, v9  }
.Ltmp2:
0x100: {  	[tilespmem:s23+$0x7D90] =	vst.add.f32.msk $0xffff, v10;
	(pc) =	sbr.rel @p1 .LBB2_7-.Ltmp2, $4  }
0x101: {  	[tilespmem:s23+$0x7DA0] =	vst.add.f32.msk $0xffff, v11  }
0x102: {  	[tilespmem:s23+$0x7DB0] =	vst.add.f32.msk $0xffff, v12  }
0x103: {  	[tilespmem:s23+$0x7DC0] =	vst.add.f32.msk $0xffff, v13  }
0x104: {  	s6 =	sadd.s32 $0x400, s6;
	[tilespmem:s23+$0x7DD0] =	vst.add.f32.msk $0xffff, v14  }
0x105: {  	s6 =	sadd.s32 s10, s21  }
0x106: {  	s6 =	sshll.u32 s6, $0x3  }
0x107: {  	s6 =	sand.u32 $0x1FFFFF80, s6  }
0x108: {  	[tilespmem:s23+$0x7DE0] =	vst.add.f32.msk $0xffff, v0;
	s6 =	sadd.s32 s2, s6  }
0x109: {  	[hbm4b:s6+s3] =	stream.linear.scatter [tilespmem:s22], [sflag:$0x7], $0x3200, $0x38;
	[tilespmem:$0x11300] =	vst v63  }
0x10a: {  	_ =	swait.ge [sflag:s0], $0x3200  }
0x10b: {  	s23 =	simm.s32 @!p0 $0x80;
	[sflag:s0] =	ssyncset.done $0x0  }
0x10c: {  	s24 =	simm.s32 @!p0 $0x7D00;
	s6 =	sadd.s32 @!p0 $0x4B0, s21;
	[sflag:s0] =	ssyncadd.s32 $0xFFFFCE00  }
0x10d: {  	[tilespmem:s24], [sflag:$0x3] =	stream.indirect.gather @!p0 [hbm4b:s5+s23], $0x40, s6, s23, $0xb8;
	[tilespmem:$0x11300] =	vst v63  }
0x10e: {  	s6 =	sadd.s32 @!p0 $0x530, s21;
	s21 =	simm.s32 @!p0 $0x48;
	s23 =	simm.s32 @!p0 $0x9D00  }
0x10f: {  	[tilespmem:s23], [sflag:$0x3] =	stream.indirect.gather @!p0 [hbm4b:s5+s21], $0x40, s6, s21, $0xb8;
	[tilespmem:$0x11300] =	vst v63  }
0x110: {  	_ =	swait.ge [sflag:s12], $0x3200  }
0x111: {  	[sflag:s12] =	ssyncset.done $0x0  }
0x112: {  	s21 =	simm.s32 $0x0;
	[sflag:s12] =	ssyncadd.s32 $0xFFFFCE00  }
0x113: {  	v0 =	vld [tilespmem:s21+$0xE1F0]  }
0x114: {  	v1 =	vld [tilespmem:s21+$0xE100]  }
0x115: {  	v2 =	vld [tilespmem:s21+$0xE110]  }
0x116: {  	v3 =	vld [tilespmem:s21+$0xE120]  }
0x117: {  	v4 =	vld [tilespmem:s21+$0xE130]  }
0x118: {  	v5 =	vld [tilespmem:s21+$0xE140]  }
0x119: {  	v6 =	vld [tilespmem:s21+$0xE150]  }
0x11a: {  	v7 =	vld [tilespmem:s21+$0xE160]  }
0x11b: {  	v8 =	vld [tilespmem:s21+$0xE170]  }
0x11c: {  	v9 =	vld [tilespmem:s21+$0xE180]  }
0x11d: {  	v10 =	vld [tilespmem:s21+$0xE190]  }
0x11e: {  	v11 =	vld [tilespmem:s21+$0xE1A0]  }
0x11f: {  	v12 =	vld [tilespmem:s21+$0xE1B0]  }
0x120: {  	v13 =	vld [tilespmem:s21+$0xE1C0]  }
0x121: {  	v14 =	vld [tilespmem:s21+$0xE1D0]  }
0x122: {  	[tilespmem:s21+$0xAFF0] =	vst.add.f32.msk $0xffff, v0  }
0x123: {  	v0 =	vld [tilespmem:s21+$0xE1E0]  }
0x124: {  	[tilespmem:s21+$0xAF00] =	vst.add.f32.msk $0xffff, v1  }
0x125: {  	[tilespmem:s21+$0xAF10] =	vst.add.f32.msk $0xffff, v2  }
0x126: {  	[tilespmem:s21+$0xAF20] =	vst.add.f32.msk $0xffff, v3  }
0x127: {  	[tilespmem:s21+$0xAF30] =	vst.add.f32.msk $0xffff, v4  }
0x128: {  	[tilespmem:s21+$0xAF40] =	vst.add.f32.msk $0xffff, v5  }
0x129: {  	[tilespmem:s21+$0xAF50] =	vst.add.f32.msk $0xffff, v6  }
0x12a: {  	[tilespmem:s21+$0xAF60] =	vst.add.f32.msk $0xffff, v7  }
0x12b: {  	[tilespmem:s21+$0xAF70] =	vst.add.f32.msk $0xffff, v8  }
0x12c: {  	[tilespmem:s21+$0xAF80] =	vst.add.f32.msk $0xffff, v9  }
0x12d: {  	[tilespmem:s21+$0xAF90] =	vst.add.f32.msk $0xffff, v10  }
0x12e: {  	[tilespmem:s21+$0xAFA0] =	vst.add.f32.msk $0xffff, v11  }
0x12f: {  	[tilespmem:s21+$0xAFB0] =	vst.add.f32.msk $0xffff, v12  }
0x130: {  	[tilespmem:s21+$0xAFC0] =	vst.add.f32.msk $0xffff, v13  }
0x131: {  	s23 =	simm.s32 $0x0;
	s6 =	simm.s32 $0x400;
	[tilespmem:s21+$0xAFD0] =	vst.add.f32.msk $0xffff, v14  }
.LBB2_9:
0x132: {  	s23 =	sadd.s32 $0x4, s23;
	[tilespmem:s21+$0xAFE0] =	vst.add.f32.msk $0xffff, v0;
	s21 =	sshra.s32 s6, $0x2  }
0x133: {  	v0 =	vld [tilespmem:s21+$0xE1F0];
	p0 =	slt.u32 s23, $0xC4  }
0x134: {  	v1 =	vld [tilespmem:s21+$0xE100]  }
0x135: {  	v2 =	vld [tilespmem:s21+$0xE110]  }
0x136: {  	v3 =	vld [tilespmem:s21+$0xE120]  }
0x137: {  	v4 =	vld [tilespmem:s21+$0xE130]  }
0x138: {  	[tilespmem:s21+$0xAFF0] =	vst.add.f32.msk $0xffff, v0  }
0x139: {  	v5 =	vld [tilespmem:s21+$0xE140]  }
0x13a: {  	v6 =	vld [tilespmem:s21+$0xE150]  }
0x13b: {  	v7 =	vld [tilespmem:s21+$0xE160]  }
0x13c: {  	v8 =	vld [tilespmem:s21+$0xE170]  }
0x13d: {  	v9 =	vld [tilespmem:s21+$0xE180]  }
0x13e: {  	v10 =	vld [tilespmem:s21+$0xE190]  }
0x13f: {  	v11 =	vld [tilespmem:s21+$0xE1A0]  }
0x140: {  	v12 =	vld [tilespmem:s21+$0xE1B0]  }
0x141: {  	v13 =	vld [tilespmem:s21+$0xE1C0]  }
0x142: {  	v14 =	vld [tilespmem:s21+$0xE1D0]  }
0x143: {  	v0 =	vld [tilespmem:s21+$0xE1E0]  }
0x144: {  	[tilespmem:s21+$0xAF00] =	vst.add.f32.msk $0xffff, v1  }
0x145: {  	[tilespmem:s21+$0xAF10] =	vst.add.f32.msk $0xffff, v2  }
0x146: {  	[tilespmem:s21+$0xAF20] =	vst.add.f32.msk $0xffff, v3  }
0x147: {  	[tilespmem:s21+$0xAF30] =	vst.add.f32.msk $0xffff, v4  }
0x148: {  	[tilespmem:s21+$0xAF40] =	vst.add.f32.msk $0xffff, v5  }
0x149: {  	[tilespmem:s21+$0xAF50] =	vst.add.f32.msk $0xffff, v6  }
0x14a: {  	[tilespmem:s21+$0xAF60] =	vst.add.f32.msk $0xffff, v7  }
0x14b: {  	[tilespmem:s21+$0xAF70] =	vst.add.f32.msk $0xffff, v8  }
0x14c: {  	[tilespmem:s21+$0xAF80] =	vst.add.f32.msk $0xffff, v9  }
.Ltmp3:
0x14d: {  	[tilespmem:s21+$0xAF90] =	vst.add.f32.msk $0xffff, v10;
	(pc) =	sbr.rel @p0 .LBB2_9-.Ltmp3, $4  }
0x14e: {  	[tilespmem:s21+$0xAFA0] =	vst.add.f32.msk $0xffff, v11  }
0x14f: {  	[tilespmem:s21+$0xAFB0] =	vst.add.f32.msk $0xffff, v12  }
0x150: {  	[tilespmem:s21+$0xAFC0] =	vst.add.f32.msk $0xffff, v13  }
0x151: {  	s6 =	sadd.s32 $0x400, s6;
	[tilespmem:s21+$0xAFD0] =	vst.add.f32.msk $0xffff, v14  }
0x152: {  	s19 =	sadd.s32 $0x1, s19  }
0x153: {  	p0 =	sne.s32 s19, $0x8  }
.Ltmp4:
0x154: {  	s6 =	sadd.s32 s4, s20;
	(pc) =	sbr.rel @p0 .LBB2_2-.Ltmp4, $4  }
0x155: {  	s6 =	sshll.u32 s6, $0x3  }
0x156: {  	s6 =	sand.u32 $0x1FFFFFC0, s6  }
0x157: {  	[tilespmem:s21+$0xAFE0] =	vst.add.f32.msk $0xffff, v0;
	s6 =	sadd.s32 s2, s6  }
0x158: {  	[hbm4b:s6+s3] =	stream.linear.scatter [tilespmem:s25], [sflag:$0x8], $0x3200, $0x38;
	[tilespmem:$0x11300] =	vst v63  }
0x159: {  	s17 =	sadd.s32 $0x1, s17  }
0x15a: {  	p0 =	sne.s32 s17, s8  }
.Ltmp5:
0x15b: {  	_ = 	snop;
	(pc) =	sbr.rel @p0 .LBB2_1-.Ltmp5, $4  }
0x15c: {  	_ = 	snop  }
0x15d: {  	_ =	swait.ge [sflag:s16], $0x3200  }
0x15e: {  	[sflag:s16] =	ssyncset.done $0x0  }
0x15f: {  	[sflag:s16] =	ssyncadd.s32 $0xFFFFCE00  }
0x160: {  	_ =	sfence.sel $0x180000  }
0x161: {  	[bflag:$0x0] =	sbarrier.arrive $0xFFFF  }
0x162: {  	_ =	strace $0x90000047  }
0x163: {  	s0 =	stileid.u32;
	[bflag:$0x2] =	sbarrier.arrive $0xFFFF  }
0x164: {  	p0 =	sne.s32 s0, $0x0;
	s0 =	rddreg [dreg:$0x2]  }
0x165: {  	s0 =	sadd.s32 @!p0 $0x100000, s0  }
0x166: {  	[sflag:s0] =	ssyncadd.tile.s32 @!p0 $0x1;
	_ =	shalt  }
.Lfunc_end2:
_tile_overlayer_lowered:
.L_overlay_start_2:
0x167: {  	(tag) =	ssettag $0x2  }
0x168: {  	s0 =	rddreg [dreg:$0x0];
	s2 =	stileid.u32  }
0x169: {  	s1 =	rddreg [dreg:$0x1];
	p0 =	sne.s32 s2, $0x0  }
0x16a: {  	s3 =	rddreg [dreg:$0x2];
	[bflag:$0x3] =	sbarrier.arrive $0xFFFF;
	s2 =	simm.s32 @!p0 $0x1C09  }
0x16b: {  	[timem:s3], [sflag:s2] =	dma.local @!p0 [hbm:s0], s1  }
0x16c: {  	s0 =	simm.s32 @!p0 $0x9  }
0x16d: {  	_ =	swait.ge @!p0 [sflag:s0], s1  }
0x16e: {  	s1 =	ssub.s32 @!p0 $0x0, s1;
	[sflag:s0] =	ssyncset.done @!p0 $0x0  }
0x16f: {  	[sflag:s0] =	ssyncadd.s32 @!p0 s1  }
0x170: {  	[bflag:$0x3] =	sbarrier.arrive $0xFFFF  }
0x171: {  	_ =	shalt  }

// kernel: sparse-core-data-format-call.cloned.1.call-start
scs
called_computation_lowered:
.L_overlay_start_0:
0x0: {  	s2 =	sld [smem:$0x3FD9]  }
0x1: {  	s3 =	sld [smem:$0x3FFE];
	_ =	sdelay $0x1  }
0x2: {  	s1 =	srdreg.scid  }
0x3: {  	s0 =	sand.u32 $0x1, s1  }
0x4: {  	s18 =	sshll.u32 s0, $0xA;
	s2 =	sadd.s32 s3, s2  }
0x5: {  	s2 =	sadd.s32 s2, s18  }
0x6: {  	[smem:$0x3FC6] =	sst s2  }
0x7: {  	_ = 	snop  }
0x8: {  	s2 =	sld [smem:$0x3FD0];
	(tm) =	ssettm $0x1  }
0x9: {  	s19 =	sld [smem:$0x3FFB];
	_ =	sdelay $0x3  }
0xa: {  	_ =	strace s19  }
0xb: {  	s3 =	sld [smem:$0x3FFC];
	_ =	sdelay $0x3  }
0xc: {  	_ =	strace s3  }
0xd: {  	s3 =	sld [smem:$0x3FFD];
	_ =	sdelay $0x3  }
0xe: {  	_ =	strace s3  }
0xf: {  	_ =	strace $0x8FFFFFFF  }
0x10: {  	s20 =	sld [smem:$0x3FDB];
	_ =	sdelay $0x1  }
0x11: {  	s4 =	simm.s32 $_scs_section_size  }
0x12: {  	s5 =	simm.s32 $_size__tile_overlayer_lowered;
	s6 =	simm.s32 $_tile_overlayer_lowered  }
0x13: {  	s23 =	simm.s32 $0x1BFF;
	s22 =	sshll.u32 s6, $0x1;
	s3 =	sadd.s32 s4, s20  }
0x14: {  	s7 =	simm.s32 $0x0;
	s21 =	sshll.u32 s5, $0x1;
	s5 =	sadd.s32 s22, s3  }
0x15: {  	[timem:s7], [sflag:s23] =	dma.local [hbm:s5], s21  }
0x16: {  	_ =	swait.ge [sflag:s23], s21  }
0x17: {  	s4 =	ssub.s32 $0x0, s21;
	[sflag:s23] =	ssyncset.done $0x0  }
0x18: {  	[sflag:s23] =	ssyncadd.s32 s4;
	_ =	sdelay $0x1  }
0x19: {  	s24 =	simm.s32 $0x1B8B  }
0x1a: {  	_ =	swait.ge [sflag:s24], $0x1  }
0x1b: {  	[sflag:s24] =	ssyncset.done $0x0  }
0x1c: {  	s26 =	simm.s32 $0x1B8E;
	s25 =	sld [smem:$0x3FFE];
	[sflag:s24] =	ssyncadd.s32 $0xFFFFFFFF  }
0x1d: {  	s27 =	simm.s32 $execute0_lowered;
	[smem:$0x3FD2] =	sst s26  }
0x1e: {  	s5 =	sshll.u32 s27, $0x1;
	_ =	strace $0x80000049;
	[dreg:$0x1] =	wrdreg $0xFFFFFFFF  }
0x1f: {  	s28 =	simm.s32 $_size_execute0_lowered;
	s3 =	sadd.s32 s3, s5;
	[dreg:$0x0] =	wrdreg $0x0  }
0x20: {  	s5 =	sshll.u32 s28, $0x1;
	[dreg:$0x2] =	wrdreg s3  }
0x21: {  	[dreg:$0x3] =	wrdreg s5  }
0x22: {  	[dreg:$0x4] =	wrdreg $0xC0  }
0x23: {  	_ =	task [dreg:s7], $0x5FFFF  }
0x24: {  	[dreg:$0x1] =	wrdreg $0xFFFFFFFF  }
0x25: {  	[dreg:$0x0] =	wrdreg $0x60  }
0x26: {  	[dreg:$0x2] =	wrdreg s25  }
0x27: {  	[dreg:$0x3] =	wrdreg s2  }
0x28: {  	[dreg:$0x4] =	wrdreg $0x9  }
0x29: {  	_ =	task.clear_ibuf [dreg:s7], $0x5FFFF;
	_ =	strace $0x90000049  }
0x2a: {  	s29 =	simm.s32 $0x9;
	_ =	strace $0x8000004B  }
0x2b: {  	_ =	swait.ge [sflag:s29], $0x1  }
0x2c: {  	[sflag:s29] =	ssyncadd.s32 $0xFFFFFFFF  }
0x2d: {  	_ =	strace $0x9000004B  }
0x2e: {  	_ =	sfence  }
0x2f: {  	s30 =	sld [smem:$0x0];
	_ =	sdelay $0x2  }
0x30: {  	s31 =	sshll.u32 s1, $0xD;
	s1 =	sshrl.u32 s1, $0x2  }
0x31: {  	s3 =	sand.u32 $0x4000, s31;
	s1 =	sadd.s32 s1, s30  }
0x32: {  	s0 =	sor.u32 s3, s0;
	s1 =	sshll.u32 s1, $0x11  }
0x33: {  	s0 =	sor.u32 s1, s0  }
0x34: {  	s0 =	sadd.s32 $0x8F2B, s0  }
0x35: {  	[sflag:s0] =	ssyncadd.remote.s32 $0x1  }
0x36: {  	_ =	sfence.sel $0xFFFF  }
0x37: {  	[dreg:$0x0] =	wrdreg $0xFFFFFFFF;
	(pc) =	sbr.abs _section_cstart, $3  }
0x38: {  	[dreg:$0x1] =	wrdreg $0xFFFFFFFF  }
0x39: {  	_ =	task.clear_ibuf [dreg:s7], $0x2FFFF;
	_ =	strace $0x9FFFFFFF  }
0x3a: {  	(tm) =	ssettm $0x7FFFFFFF  }
0x3b: {  	_ =	shalt  }
tec
execute0_lowered:
.L_overlay_start_1:
0x0: {  	(tag) =	ssettag $0x1  }
0x1: {  	s0 =	srdreg.scid  }
0x2: {  	s1 =	sshll.u32 s0, $0x4  }
0x3: {  	s0 =	stileid.u32;
	s1 =	sand.u32 $0x10, s1  }
0x4: {  	s1 =	sor.u32 s0, s1  }
0x5: {  	s6 =	rddreg [dreg:$0x0];
	s4 =	simm.s32 $0x1;
	s2 =	sshll.u32 s1, $0x7  }
0x6: {  	s7 =	simm.s32 $0x2;
	s12 =	simm.s32 $0x0;
	s1 =	ssub.s32 $0x1000, s2  }
0x7: {  	s8 =	simm.s32 $0x8000;
	s13 =	simm.s32 $0x0;
	s3 =	sand.u32 $0xF80, s1  }
0x8: {  	s9 =	simm.s32 $0x0;
	s5 =	sshrl.u32 s1, $0xC;
	p0 =	sne.s32 s3, $0x0  }
.Ltmp0:
0x9: {  	s1 =	rddreg [dreg:$0x2];
	s4 =	simm.s32 @!p0 $0x0;
	(pc) =	sbr.rel .LBB1_1-.Ltmp0, $4  }
0xa: {  	s11 =	simm.s32 $0x0;
	s3 =	rddreg [dreg:$0x1];
	s5 =	sadd.s32 s4, s5  }
0xb: {  	_ =	strace $0x8000004A;
	s4 =	simm.s32 $0x1;
	s5 =	smul.u32 $0x32, s5  }
0xc: {  	s6 =	sadd.s32 $0x800, s6;
	s10 =	smov.u32 s2;
	[sflag:s4] =	ssyncpa.u1 $0x0  }
0xd: {  	p0 =	por $0x0, $0x0;
	[sflag:s7] =	ssyncpa.u1 $0x0;
	s7 =	sor.u32 $0x1, s5  }
.LBB1_4:
0xe: {  	s16 =	sshll.u32 s13, $0x3;
	s17 =	sand.u32 $0x78, s13  }
0xf: {  	s30 =	sand.u32 $0x7E00, s13;
	s12 =	sshll.u32 s12, $0xF;
	s16 =	sand.u32 $0xC00, s16  }
0x10: {  	[tilespmem:s15+$0x810 ss:$0x81] =	vst.msk $0xffff, v2;
	s31 =	sand.u32 $0x7, s13;
	s16 =	sor.u32 s17, s16;
	s17 =	sadd.s32 s3, s30  }
0x11: {  	[tilespmem:s15+$0x1020 ss:$0x81] =	vst.msk $0xffff, v0;
	s13 =	sshll.u32 s31, $0x12;
	s12 =	sadd.s32 s12, s17;
	s16 =	sshrl.u32 s16, $0x3  }
0x12: {  	[tilespmem:s15+$0x0 ss:$0x81] =	vst.msk $0xffff, v1;
	s13 =	sor.u32 $0x400, s13;
	s12 =	sadd.s32 s16, s12  }
0x13: {  	[hbm4b:s12+s13] =	stream.strided.scatter [tilespmem:s14], [sflag:$0x2], $0x2000, s8, s13, $0x20;
	[tilespmem:$0x8080] =	vst v63  }
.LBB1_5:
0x14: {  	s14 =	sadd.s32 $0x1, s9  }
0x15: {  	s12 =	sadd.s32 $0x1000, s10;
	s16 =	smov.u32 s10;
	p2 =	sgt.s32 s14, $0x31  }
0x16: {  	s16 =	smov.u32 @p2 s12  }
0x17: {  	s14 =	simm.s32 @p2 $0x0;
	p2 =	sgt.s32 s16, $0xFFF  }
0x18: {  	s16 =	smov.u32 @p2 s2;
	p2 =	sne.s32 s11, s7  }
.Ltmp1:
0x19: {  	p1 =	slt.u32 s11, $0x2;
	(pc) =	sbr.rel @!p2 .LBB1_6-.Ltmp1, $4  }
0x1a: {  	s15 =	simm.s32 @!p1 $0x2  }
0x1b: {  	s13 =	smov.u32 s10;
	p0 =	por !p0, !p0;
	_ =	swait.ge @!p1 [sflag:s15], $0x2000  }
0x1c: {  	s12 =	smov.u32 s9;
	[sflag:s15] =	ssyncset.done @!p1 $0x0;
	s9 =	smov.u32 s14  }
0x1d: {  	s11 =	sadd.s32 $0x1, s11;
	[sflag:s15] =	ssyncadd.s32 @!p1 $0xFFFFE000;
	s10 =	smov.u32 s16  }
.LBB1_1:
0x1e: {  	p1 =	sge.u32 s11, s5  }
0x1f: {  	s14 =	sand.u32 @!p1 $0x1FFFFFF, s9  }
0x20: {  	s15 =	smulhi.u32 @!p1 $0x4924925, s14;
	_ =	sdelay $0x1  }
0x21: {  	s15 =	smul.u32 @!p1 $0x38, s15  }
0x22: {  	s16 =	sxor.u32 @!p1 $0xFFFFFFFF, s11;
	s17 =	smul.u32 @!p1 $0x380, s10  }
0x23: {  	s31 =	sadd.s32 $0xFFFFFFFF, s11;
	s16 =	sshll.u32 @!p1 s16, $0xD;
	s14 =	ssub.s32 @!p1 s14, s15  }
0x24: {  	s15 =	sand.u32 @!p1 $0x2000, s16;
	s16 =	sadd.s32 @!p1 s6, s17;
	s14 =	sshll.u32 @!p1 s14, $0x4  }
0x25: {  	s17 =	simm.s32 @!p1 $0x1C00;
	s14 =	sadd.s32 @!p1 s14, s16;
	s16 =	simm.s32 @!p1 $0x40  }
0x26: {  	[tilespmem:s15], [sflag:$0x1] =	stream.strided.gather @!p1 [hbm4b:s14+s16], $0x2000, s17, s16, $0x38;
	[tilespmem:$0x8080] =	vst v63  }
0x27: {  	p1 =	sge.u32 s31, s5  }
.Ltmp2:
0x28: {  	_ = 	snop;
	(pc) =	sbr.rel @p1 .LBB1_5-.Ltmp2, $1  }
0x29: {  	_ =	sdelay $0x3  }
0x2a: {  	s14 =	simm.s32 $0x1  }
0x2b: {  	_ =	swait.ge [sflag:s4], $0x2000;
	s14 =	simm.s32 @!p0 $0x0  }
0x2c: {  	[sflag:s4] =	ssyncset.done $0x0;
	s15 =	sshll.u32 s14, $0xD  }
0x2d: {  	[sflag:s4] =	ssyncadd.s32 $0xFFFFE000;
	s18 =	sor.u32 $0x20, s15  }
0x2e: {  	s14 =	smul.u32 $0x8100, s14;
	v3 =	vld [tilespmem:s18+$0x10]  }
0x2f: {  	s30 =	sand.u32 $0x1, s11;
	v2 =	vld [tilespmem:s18+$0xFFFFFFF0]  }
0x30: {  	s15 =	smul.u32 $0x8100, s30;
	s14 =	sshrl.u32 s14, $0x2;
	v0 =	vld [tilespmem:s18+$0x0]  }
0x31: {  	v1 =	vld [tilespmem:s18+$0xFFFFFFE0];
	s16 =	sor.u32 $0x4000, s14  }
0x32: {  	s31 =	sshrl.u32 s15, $0x2;
	s15 =	sadd.s32 $0x0, s16  }
0x33: {  	s17 =	simm.s32 $0x4;
	s18 =	sadd.s32 $0x40, s18;
	s14 =	sor.u32 $0x4000, s31;
	[tilespmem:s15+$0x1830 ss:$0x81] =	vst.msk $0xffff, v3  }
.LBB1_3:
0x34: {  	v3 =	vld [tilespmem:s18+$0x10];
	p1 =	sne.s32 s17, $0x1FC;
	[tilespmem:s15+$0x810 ss:$0x81] =	vst.msk $0xffff, v2;
	s19 =	smov.u32 s17;
	s17 =	sadd.s32 $0x4, s17  }
.Ltmp3:
0x35: {  	v2 =	vld [tilespmem:s18+$0xFFFFFFF0];
	[tilespmem:s15+$0x1020 ss:$0x81] =	vst.msk $0xffff, v0;
	(pc) =	sbr.rel @p1 .LBB1_3-.Ltmp3, $4  }
0x36: {  	v0 =	vld [tilespmem:s18+$0x0];
	[tilespmem:s15+$0x0 ss:$0x81] =	vst.msk $0xffff, v1  }
0x37: {  	s15 =	sshra.s32 s19, $0x2;
	v1 =	vld [tilespmem:s18+$0xFFFFFFE0]  }
0x38: {  	s15 =	sadd.s32 s15, s16  }
0x39: {  	s18 =	sadd.s32 $0x40, s18;
	[tilespmem:s15+$0x1830 ss:$0x81] =	vst.msk $0xffff, v3  }
.Ltmp4:
0x3a: {  	_ = 	snop;
	(pc) =	sbr.rel .LBB1_4-.Ltmp4, $1  }
0x3b: {  	_ =	sdelay $0x3  }
.LBB1_6:
0x3c: {  	_ =	sfence.sel $0x180000  }
0x3d: {  	s2 =	simm.s32 $0x1;
	[bflag:$0x0] =	sbarrier.arrive $0xFFFF  }
0x3e: {  	s31 =	simm.s32 $0x2;
	[sflag:s2] =	ssyncpa.u1 $0x1  }
0x3f: {  	[sflag:s31] =	ssyncpa.u1 $0x1  }
0x40: {  	p0 =	sne.s32 s0, $0x0;
	_ =	strace $0x9000004A  }
0x41: {  	s0 =	sadd.s32 @!p0 $0x100000, s1;
	[bflag:$0x2] =	sbarrier.arrive $0xFFFF  }
0x42: {  	[sflag:s0] =	ssyncadd.tile.s32 @!p0 $0x1;
	_ =	shalt  }
.Lfunc_end1:
_tile_overlayer_lowered:
.L_overlay_start_2:
0x43: {  	(tag) =	ssettag $0x2  }
0x44: {  	s0 =	rddreg [dreg:$0x0];
	s2 =	stileid.u32  }
0x45: {  	s1 =	rddreg [dreg:$0x1];
	p0 =	sne.s32 s2, $0x0  }
0x46: {  	s3 =	rddreg [dreg:$0x2];
	[bflag:$0x3] =	sbarrier.arrive $0xFFFF;
	s2 =	simm.s32 @!p0 $0x1C01  }
0x47: {  	[timem:s3], [sflag:s2] =	dma.local @!p0 [hbm:s0], s1  }
0x48: {  	s0 =	simm.s32 @!p0 $0x1  }
0x49: {  	_ =	swait.ge @!p0 [sflag:s0], s1  }
0x4a: {  	s1 =	ssub.s32 @!p0 $0x0, s1;
	[sflag:s0] =	ssyncset.done @!p0 $0x0  }
0x4b: {  	[sflag:s0] =	ssyncadd.s32 @!p0 s1  }
0x4c: {  	[bflag:$0x3] =	sbarrier.arrive $0xFFFF  }
0x4d: {  	_ =	shalt  }

</sc_bundles>
